<compile_context>
chip_gen: v7x
topology: tpu7x:2x2x1
jax: 0.10.2.dev20260603
libtpu: 0.0.44.dev20260713+nightly
codegen_flags: <defaults>
</compile_context>

<pallas_src>
import functools

import jax
import jax.numpy as jnp
from jax import lax
from jax.experimental import pallas as pl
from jax.experimental.pallas import tpu as pltpu
from jax.experimental.pallas import tpu_sc as plsc

_NUM_BUCKETS = 100000
_DIM = 100
_DIMP = 128
_PRIME0, _PRIME1 = 31, 1009
_OFF0, _OFF1 = 7, 433
_BATCH = 16384
_OUT = 300

_NC = 2
_NS = 16
_NW = _NC * _NS
_BPW = _BATCH // _NW
_SUB = 256
_LANES = 16

_sc_mesh = plsc.VectorSubcoreMesh(core_axis_name="c", subcore_axis_name="s")


def _sc_gather_tables(x, table_p):

    @functools.partial(
        pl.kernel,
        mesh=_sc_mesh,
        out_type=(
            jax.ShapeDtypeStruct((_BATCH, _DIMP), jnp.float32),
            jax.ShapeDtypeStruct((_BATCH, _DIMP), jnp.float32),
        ),
        scratch_types=[
            pltpu.VMEM((_BPW,), jnp.int32),
            pltpu.VMEM((_SUB,), jnp.int32),
            pltpu.VMEM((_SUB,), jnp.int32),
            pltpu.VMEM((_SUB, _DIMP), jnp.float32),
            pltpu.VMEM((_SUB, _DIMP), jnp.float32),
            pltpu.SemaphoreType.DMA,
        ],
    )
    def tab_kernel(x_hbm, table_hbm, t0_hbm, t1_hbm,
                   x_v, h0_v, h1_v, t0_v, t1_v, sem):
        wid = lax.axis_index("s") * _NC + lax.axis_index("c")
        base = wid * _BPW
        pltpu.sync_copy(x_hbm.at[pl.ds(base, _BPW)], x_v)

        for s in range(_BPW // _SUB):
            def hash_body(i, carry, s=s):
                xx = x_v[pl.ds(s * _SUB + i * _LANES, _LANES)]
                sl = pl.ds(i * _LANES, _LANES)
                h0_v[sl] = (xx * _PRIME0 + _OFF0) % _NUM_BUCKETS
                h1_v[sl] = (xx * _PRIME1 + _OFF1) % _NUM_BUCKETS
                return carry

            lax.fori_loop(0, _SUB // _LANES, hash_body, 0)

            cp0 = pltpu.async_copy(table_hbm.at[h0_v], t0_v, sem)
            cp1 = pltpu.async_copy(table_hbm.at[h1_v], t1_v, sem)
            cp0.wait()
            cp1.wait()

            out_sl = pl.ds(base + s * _SUB, _SUB)
            pltpu.sync_copy(t0_v, t0_hbm.at[out_sl])
            pltpu.sync_copy(t1_v, t1_hbm.at[out_sl])

    return tab_kernel(x, table_p)


def _sc_gather_imp(x, imp0, imp1):

    @functools.partial(
        pl.kernel,
        mesh=_sc_mesh,
        out_type=(
            jax.ShapeDtypeStruct((_BATCH,), jnp.float32),
            jax.ShapeDtypeStruct((_BATCH,), jnp.float32),
        ),
        scratch_types=[
            pltpu.VMEM((_BPW,), jnp.int32),
            pltpu.VMEM((_BPW,), jnp.float32),
            pltpu.VMEM((_BPW,), jnp.float32),
            pltpu.SemaphoreType.DMA,
        ],
    )
    def imp_kernel(x_hbm, imp0_hbm, imp1_hbm, w0_hbm, w1_hbm,
                   x_v, i0_v, i1_v, sem):
        wid = lax.axis_index("s") * _NC + lax.axis_index("c")
        base = wid * _BPW
        sl = pl.ds(base, _BPW)
        pltpu.sync_copy(x_hbm.at[sl], x_v)
        cp0 = pltpu.async_copy(imp0_hbm.at[x_v], i0_v, sem)
        cp1 = pltpu.async_copy(imp1_hbm.at[x_v], i1_v, sem)
        cp0.wait()
        cp1.wait()
        pltpu.sync_copy(i0_v, w0_hbm.at[sl])
        pltpu.sync_copy(i1_v, w1_hbm.at[sl])

    return imp_kernel(x, imp0, imp1)


_PAD_BLK = 8192


def _pad_body(t_ref, o_ref):
    o_ref[:, : _DIM] = t_ref[...].T
    o_ref[:, _DIM:] = jnp.zeros((_PAD_BLK, _DIMP - _DIM), jnp.float32)


def _pad_table(table_t):
    nblk = (_NUM_BUCKETS + _PAD_BLK - 1) // _PAD_BLK
    return pl.pallas_call(
        _pad_body,
        grid=(nblk,),
        in_specs=[pl.BlockSpec((_DIM, _PAD_BLK), lambda i: (0, i))],
        out_specs=pl.BlockSpec((_PAD_BLK, _DIMP), lambda i: (i, 0)),
        out_shape=jax.ShapeDtypeStruct((_NUM_BUCKETS, _DIMP), jnp.float32),
    )(table_t)


_TC_BLK = 4096


def _tc_head_body(t0_ref, t1_ref, w0_ref, w1_ref, w_ref, b_ref, o_ref):
    t0 = t0_ref[...]
    t1 = t1_ref[...]
    w0 = w0_ref[...].reshape(_TC_BLK, 1)
    w1 = w1_ref[...].reshape(_TC_BLK, 1)
    emb = w0 * t0 + w1 * t1
    out = lax.dot_general(w_ref[...], emb, (((1,), (1,)), ((), ())),
                          preferred_element_type=jnp.float32)
    out = out + b_ref[...]
    m = jnp.max(out, axis=0, keepdims=True)
    e = jnp.exp(out - m)
    s = jnp.sum(e, axis=0, keepdims=True)
    o_ref[...] = out - m - jnp.log(s)


def _tc_head(t0p, t1p, w0, w1, fc_wp, fc_b2):
    nblk = _BATCH // _TC_BLK
    return pl.pallas_call(
        _tc_head_body,
        grid=(nblk,),
        in_specs=[
            pl.BlockSpec((_TC_BLK, _DIMP), lambda i: (i, 0)),
            pl.BlockSpec((_TC_BLK, _DIMP), lambda i: (i, 0)),
            pl.BlockSpec((_TC_BLK,), lambda i: (i,)),
            pl.BlockSpec((_TC_BLK,), lambda i: (i,)),
            pl.BlockSpec((_OUT, _DIMP), lambda i: (0, 0)),
            pl.BlockSpec((_OUT, 1), lambda i: (0, 0)),
        ],
        out_specs=pl.BlockSpec((_OUT, _TC_BLK), lambda i: (0, i)),
        out_shape=jax.ShapeDtypeStruct((_OUT, _BATCH), jnp.float32),
    )(t0p, t1p, w0, w1, fc_wp, fc_b2)


def kernel(x, table, importance, fc_w, fc_b):
    table_p = _pad_table(table.T)
    table_p, imp_t = lax.optimization_barrier((table_p, importance.T))
    imp0 = imp_t[0]
    imp1 = imp_t[1]
    fc_wpt = jnp.pad(fc_w.T, ((0, 0), (0, _DIMP - _DIM)))
    t0p, t1p = _sc_gather_tables(x, table_p)
    imp0, imp1 = lax.optimization_barrier((imp0, imp1, t0p))[:2]
    w0, w1 = _sc_gather_imp(x, imp0, imp1)
    out_t = _tc_head(t0p, t1p, w0, w1, fc_wpt, fc_b.reshape(_OUT, 1))
    return out_t.T

# --- scband reference (transcript-rebuilt; emitter-appended) ---
"""Pipeline reference for scband-model-89481348645086 (READ-ONLY COPY).

The authoritative reference and input builder live on the scoring server;
editing this copy changes nothing except your own understanding.
"""

import jax, jax.numpy as jnp
import numpy as np

NUM_EMB = 1000000
NUM_BUCKETS = 100000
DIM = 100
K = 2
PRIMES = [31, 1009]
OFFS = [7, 433]
BATCH = 16384
OUT = 300


def setup_inputs(seed: int = 0) -> dict:
    key = jax.random.key(seed)
    k1, k2, k3, k4 = jax.random.split(key, 4)
    x = jax.random.randint(k1, (BATCH,), 0, NUM_EMB, dtype=jnp.int32)
    table = jax.random.normal(k2, (NUM_BUCKETS, DIM), dtype=jnp.float32) * 0.01
    importance = jax.random.normal(k3, (NUM_EMB, K), dtype=jnp.float32) * 0.1
    fc_w = jax.random.normal(k4, (DIM, OUT), dtype=jnp.float32) * (1.0 / np.sqrt(DIM))
    fc_b = jnp.zeros((OUT,), dtype=jnp.float32)
    return {"x": x, "table": table, "importance": importance, "fc_w": fc_w, "fc_b": fc_b}


def reference(x, table, importance, fc_w, fc_b):
    # HashEmbedding (Svenstrup-style): K hash functions into a shared bucket
    # table, combined with per-token importance weights.
    imp = jnp.take(importance, x, axis=0)  # [B, K] gather
    nb = table.shape[0]
    emb = jnp.zeros((x.shape[0], table.shape[1]), dtype=table.dtype)
    for k in range(K):
        h = (x * PRIMES[k] + OFFS[k]) % nb
        emb = emb + imp[:, k:k + 1] * jnp.take(table, h, axis=0)  # [B, DIM]
    # flatten (already [B, DIM] with DIM == 100), then fc + log_softmax
    flat = emb.reshape(emb.shape[0], -1)
    out = flat @ fc_w + fc_b
    return jax.nn.log_softmax(out, axis=1)

if __name__ == "__main__":
    import jax
    _d = setup_inputs()
    print(jax.jit(kernel)(*tuple(_d.values())))

</pallas_src>

<mosaic_0001>
#map = affine_map<(d0, d1) -> (0)>
module attributes {stable_mosaic.version = 14 : i64} {
  func.func @imp_kernel(%arg0: i32, %arg1: i32, %arg2: memref<16384xi32, #tpu.memory_space<hbm>>, %arg3: memref<1000000xf32, #tpu.memory_space<hbm>>, %arg4: memref<1000000xf32, #tpu.memory_space<hbm>>, %arg5: memref<16384xf32, #tpu.memory_space<hbm>>, %arg6: memref<16384xf32, #tpu.memory_space<hbm>>, %arg7: memref<512xi32, #tpu.memory_space<vmem>>, %arg8: memref<512xf32, #tpu.memory_space<vmem>>, %arg9: memref<512xf32, #tpu.memory_space<vmem>>, %arg10: memref<!tpu.dma_semaphore, #tpu.memory_space<semaphore_mem>>) attributes {dimension_semantics = [#tpu.dimension_semantics<core_parallel>, #tpu.dimension_semantics<subcore_parallel>], iteration_bounds = array<i64: 2, 16>, scalar_prefetch = 0 : i64, scratch_operands = 4 : i64, tpu.core_type = #tpu.core_type<sc_vector_subcore>, window_params = [{transform_indices = #map}, {transform_indices = #map}, {transform_indices = #map}, {transform_indices = #map}, {transform_indices = #map}]} {
    %mul3A = arith.constant 2 : i32
    %mul3A_0 = arith.muli %arg1, %mul3A : i32
    %add3A = arith.addi %mul3A_0, %arg0 : i32
    %mul3A_1 = arith.constant 512 : i32
    %mul3A_2 = arith.muli %add3A, %mul3A_1 : i32
    "tpu.region"() ({
      %run_scoped3A = tpu.sem_alloc : memref<!tpu.dma_semaphore, #tpu.memory_space<semaphore_mem>>
      %dma_start3A_9 = tpu.memref_slice %arg2[%mul3A_2] : memref<16384xi32, #tpu.memory_space<hbm>> -> memref<512xi32, #tpu.memory_space<hbm>>
      %dma_start3A_10 = tpu.memref_slice %arg2[%mul3A_2] : memref<16384xi32, #tpu.memory_space<hbm>> -> memref<512xi32, #tpu.memory_space<hbm>>
      tpu.enqueue_dma source(%dma_start3A_10 : memref<512xi32, #tpu.memory_space<hbm>>) target(%arg7 : memref<512xi32, #tpu.memory_space<vmem>>) target_semaphore(%run_scoped3A : memref<!tpu.dma_semaphore, #tpu.memory_space<semaphore_mem>>)
      %dma_wait3A_11 = tpu.memref_slice %arg2[%mul3A_2] : memref<16384xi32, #tpu.memory_space<hbm>> -> memref<512xi32, #tpu.memory_space<hbm>>
      %dma_wait3A_12 = tpu.memref_slice %arg2[%mul3A_2] : memref<16384xi32, #tpu.memory_space<hbm>> -> memref<512xi32, #tpu.memory_space<hbm>>
      tpu.wait_dma2 semaphore(%run_scoped3A : memref<!tpu.dma_semaphore, #tpu.memory_space<semaphore_mem>>) src(%dma_wait3A_12 : memref<512xi32, #tpu.memory_space<hbm>>) dst(%arg7 : memref<512xi32, #tpu.memory_space<vmem>>)
      tpu.yield
    }) : () -> ()
    %dma_start3A = arith.constant 0 : i32
    %dma_start3A_3 = tpu.memref_slice %arg3[%dma_start3A] : memref<1000000xf32, #tpu.memory_space<hbm>> -> memref<1000000xf32, #tpu.memory_space<hbm>>
    tpu.enqueue_indirect_dma source(%dma_start3A_3 : memref<1000000xf32, #tpu.memory_space<hbm>>) target(%arg8 : memref<512xf32, #tpu.memory_space<vmem>>) offsets(%arg7 : memref<512xi32, #tpu.memory_space<vmem>>) semaphore(%arg10 : memref<!tpu.dma_semaphore, #tpu.memory_space<semaphore_mem>>)
    %dma_start3A_4 = arith.constant 0 : i32
    %dma_start3A_5 = tpu.memref_slice %arg4[%dma_start3A_4] : memref<1000000xf32, #tpu.memory_space<hbm>> -> memref<1000000xf32, #tpu.memory_space<hbm>>
    tpu.enqueue_indirect_dma source(%dma_start3A_5 : memref<1000000xf32, #tpu.memory_space<hbm>>) target(%arg9 : memref<512xf32, #tpu.memory_space<vmem>>) offsets(%arg7 : memref<512xi32, #tpu.memory_space<vmem>>) semaphore(%arg10 : memref<!tpu.dma_semaphore, #tpu.memory_space<semaphore_mem>>)
    %dma_wait3A = arith.constant 0 : i32
    %dma_wait3A_6 = tpu.memref_slice %arg3[%dma_wait3A] : memref<1000000xf32, #tpu.memory_space<hbm>> -> memref<1000000xf32, #tpu.memory_space<hbm>>
    tpu.wait_indirect_dma semaphore(%arg10 : memref<!tpu.dma_semaphore, #tpu.memory_space<semaphore_mem>>) src(%dma_wait3A_6 : memref<1000000xf32, #tpu.memory_space<hbm>>) dst(%arg8 : memref<512xf32, #tpu.memory_space<vmem>>)
    %dma_wait3A_7 = arith.constant 0 : i32
    %dma_wait3A_8 = tpu.memref_slice %arg4[%dma_wait3A_7] : memref<1000000xf32, #tpu.memory_space<hbm>> -> memref<1000000xf32, #tpu.memory_space<hbm>>
    tpu.wait_indirect_dma semaphore(%arg10 : memref<!tpu.dma_semaphore, #tpu.memory_space<semaphore_mem>>) src(%dma_wait3A_8 : memref<1000000xf32, #tpu.memory_space<hbm>>) dst(%arg9 : memref<512xf32, #tpu.memory_space<vmem>>)
    "tpu.region"() ({
      %run_scoped3A = tpu.sem_alloc : memref<!tpu.dma_semaphore, #tpu.memory_space<semaphore_mem>>
      %dma_start3A_9 = tpu.memref_slice %arg5[%mul3A_2] : memref<16384xf32, #tpu.memory_space<hbm>> -> memref<512xf32, #tpu.memory_space<hbm>>
      %dma_start3A_10 = tpu.memref_slice %arg5[%mul3A_2] : memref<16384xf32, #tpu.memory_space<hbm>> -> memref<512xf32, #tpu.memory_space<hbm>>
      tpu.enqueue_dma source(%arg8 : memref<512xf32, #tpu.memory_space<vmem>>) target(%dma_start3A_10 : memref<512xf32, #tpu.memory_space<hbm>>) target_semaphore(%run_scoped3A : memref<!tpu.dma_semaphore, #tpu.memory_space<semaphore_mem>>)
      %dma_wait3A_11 = tpu.memref_slice %arg5[%mul3A_2] : memref<16384xf32, #tpu.memory_space<hbm>> -> memref<512xf32, #tpu.memory_space<hbm>>
      %dma_wait3A_12 = tpu.memref_slice %arg5[%mul3A_2] : memref<16384xf32, #tpu.memory_space<hbm>> -> memref<512xf32, #tpu.memory_space<hbm>>
      tpu.wait_dma2 semaphore(%run_scoped3A : memref<!tpu.dma_semaphore, #tpu.memory_space<semaphore_mem>>) src(%arg8 : memref<512xf32, #tpu.memory_space<vmem>>) dst(%dma_wait3A_12 : memref<512xf32, #tpu.memory_space<hbm>>)
      tpu.yield
    }) : () -> ()
    "tpu.region"() ({
      %run_scoped3A = tpu.sem_alloc : memref<!tpu.dma_semaphore, #tpu.memory_space<semaphore_mem>>
      %dma_start3A_9 = tpu.memref_slice %arg6[%mul3A_2] : memref<16384xf32, #tpu.memory_space<hbm>> -> memref<512xf32, #tpu.memory_space<hbm>>
      %dma_start3A_10 = tpu.memref_slice %arg6[%mul3A_2] : memref<16384xf32, #tpu.memory_space<hbm>> -> memref<512xf32, #tpu.memory_space<hbm>>
      tpu.enqueue_dma source(%arg9 : memref<512xf32, #tpu.memory_space<vmem>>) target(%dma_start3A_10 : memref<512xf32, #tpu.memory_space<hbm>>) target_semaphore(%run_scoped3A : memref<!tpu.dma_semaphore, #tpu.memory_space<semaphore_mem>>)
      %dma_wait3A_11 = tpu.memref_slice %arg6[%mul3A_2] : memref<16384xf32, #tpu.memory_space<hbm>> -> memref<512xf32, #tpu.memory_space<hbm>>
      %dma_wait3A_12 = tpu.memref_slice %arg6[%mul3A_2] : memref<16384xf32, #tpu.memory_space<hbm>> -> memref<512xf32, #tpu.memory_space<hbm>>
      tpu.wait_dma2 semaphore(%run_scoped3A : memref<!tpu.dma_semaphore, #tpu.memory_space<semaphore_mem>>) src(%arg9 : memref<512xf32, #tpu.memory_space<vmem>>) dst(%dma_wait3A_12 : memref<512xf32, #tpu.memory_space<hbm>>)
      tpu.yield
    }) : () -> ()
    return
  }
}

#map = affine_map<(d0, d1) -> (0)>
#map1 = affine_map<(d0, d1) -> (0, 0)>
module attributes {stable_mosaic.version = 14 : i64} {
  func.func @tab_kernel(%arg0: i32, %arg1: i32, %arg2: memref<16384xi32, #tpu.memory_space<hbm>>, %arg3: memref<100000x128xf32, #tpu.memory_space<hbm>>, %arg4: memref<16384x128xf32, #tpu.memory_space<hbm>>, %arg5: memref<16384x128xf32, #tpu.memory_space<hbm>>, %arg6: memref<512xi32, #tpu.memory_space<vmem>>, %arg7: memref<256xi32, #tpu.memory_space<vmem>>, %arg8: memref<256xi32, #tpu.memory_space<vmem>>, %arg9: memref<256x128xf32, #tpu.memory_space<vmem>>, %arg10: memref<256x128xf32, #tpu.memory_space<vmem>>, %arg11: memref<!tpu.dma_semaphore, #tpu.memory_space<semaphore_mem>>) attributes {dimension_semantics = [#tpu.dimension_semantics<core_parallel>, #tpu.dimension_semantics<subcore_parallel>], iteration_bounds = array<i64: 2, 16>, scalar_prefetch = 0 : i64, scratch_operands = 6 : i64, tpu.core_type = #tpu.core_type<sc_vector_subcore>, window_params = [{transform_indices = #map}, {transform_indices = #map1}, {transform_indices = #map1}, {transform_indices = #map1}]} {
    %mul3A = arith.constant 2 : i32
    %mul3A_0 = arith.muli %arg1, %mul3A : i32
    %add3A = arith.addi %mul3A_0, %arg0 : i32
    %mul3A_1 = arith.constant 512 : i32
    %mul3A_2 = arith.muli %add3A, %mul3A_1 : i32
    "tpu.region"() ({
      %run_scoped3A = tpu.sem_alloc : memref<!tpu.dma_semaphore, #tpu.memory_space<semaphore_mem>>
      %dma_start3A_40 = tpu.memref_slice %arg2[%mul3A_2] : memref<16384xi32, #tpu.memory_space<hbm>> -> memref<512xi32, #tpu.memory_space<hbm>>
      %dma_start3A_41 = tpu.memref_slice %arg2[%mul3A_2] : memref<16384xi32, #tpu.memory_space<hbm>> -> memref<512xi32, #tpu.memory_space<hbm>>
      tpu.enqueue_dma source(%dma_start3A_41 : memref<512xi32, #tpu.memory_space<hbm>>) target(%arg6 : memref<512xi32, #tpu.memory_space<vmem>>) target_semaphore(%run_scoped3A : memref<!tpu.dma_semaphore, #tpu.memory_space<semaphore_mem>>)
      %dma_wait3A_42 = tpu.memref_slice %arg2[%mul3A_2] : memref<16384xi32, #tpu.memory_space<hbm>> -> memref<512xi32, #tpu.memory_space<hbm>>
      %dma_wait3A_43 = tpu.memref_slice %arg2[%mul3A_2] : memref<16384xi32, #tpu.memory_space<hbm>> -> memref<512xi32, #tpu.memory_space<hbm>>
      tpu.wait_dma2 semaphore(%run_scoped3A : memref<!tpu.dma_semaphore, #tpu.memory_space<semaphore_mem>>) src(%dma_wait3A_43 : memref<512xi32, #tpu.memory_space<hbm>>) dst(%arg6 : memref<512xi32, #tpu.memory_space<vmem>>)
      tpu.yield
    }) : () -> ()
    %scan3A = arith.constant 0 : i32
    %scan3A_3 = arith.constant 0 : i32
    %scan3A_4 = arith.constant 16 : i32
    %scan3A_5 = arith.addi %scan3A_3, %scan3A_4 : i32
    %scan3A_6 = arith.constant 1 : i32
    scf.for %scan3A_40 = %scan3A_3 to %scan3A_5 step %scan3A_6  : i32 {
      %mul3A_41 = arith.constant 16 : i32
      %mul3A_42 = arith.muli %scan3A_40, %mul3A_41 : i32
      %add3A_43 = arith.constant 0 : i32
      %add3A_44 = arith.addi %add3A_43, %mul3A_42 : i32
      %get3A = arith.index_cast %add3A_44 : i32 to index
      %get3A_45 = tpu.vector_load %arg6[%get3A] {strides = array<i32>} : memref<512xi32, #tpu.memory_space<vmem>>, vector<16xi32>,
      %get3A_46 = vector.shape_cast %get3A_45 : vector<16xi32> to vector<16xi32>
      %mul3A_47 = arith.constant 16 : i32
      %mul3A_48 = arith.muli %scan3A_40, %mul3A_47 : i32
      %mul3A_49 = arith.constant 31 : i32
      %mul3A_50 = vector.broadcast %mul3A_49 : i32 to vector<16xi32>
      %mul3A_51 = arith.muli %get3A_46, %mul3A_50 : vector<16xi32>
      %add3A_52 = arith.constant 7 : i32
      %add3A_53 = vector.broadcast %add3A_52 : i32 to vector<16xi32>
      %add3A_54 = arith.addi %mul3A_51, %add3A_53 : vector<16xi32>
      %jit3A = arith.constant 100000 : i32
      %eq3A = arith.constant 0 : i32
      %eq3A_55 = arith.cmpi eq, %jit3A, %eq3A : i32
      %jit3A_56 = arith.constant 1 : i32
      %select_n3A = arith.select %eq3A_55, %jit3A_56, %jit3A : i32
      %rem3A = vector.broadcast %select_n3A : i32 to vector<16xi32>
      %rem3A_57 = arith.remsi %add3A_54, %rem3A : vector<16xi32>
      %ne3A = arith.constant 0 : i32
      %ne3A_58 = vector.broadcast %ne3A : i32 to vector<16xi32>
      %ne3A_59 = arith.cmpi ne, %rem3A_57, %ne3A_58 : vector<16xi32>
      %lt3A = arith.constant 0 : i32
      %lt3A_60 = vector.broadcast %lt3A : i32 to vector<16xi32>
      %lt3A_61 = arith.cmpi slt, %rem3A_57, %lt3A_60 : vector<16xi32>
      %lt3A_62 = arith.constant 0 : i32
      %lt3A_63 = arith.cmpi slt, %select_n3A, %lt3A_62 : i32
      %ne3A_64 = vector.broadcast %lt3A_63 : i1 to vector<16xi1>
      %ne3A_65 = vector.broadcast %ne3A_64 : vector<16xi1> to vector<16xi1>
      %ne3A_66 = arith.xori %lt3A_61, %ne3A_65 : vector<16xi1>
      %and3A = arith.andi %ne3A_66, %ne3A_59 : vector<16xi1>
      %add3A_67 = vector.broadcast %select_n3A : i32 to vector<16xi32>
      %add3A_68 = arith.addi %rem3A_57, %add3A_67 : vector<16xi32>
      %select_n3A_69 = arith.select %and3A, %add3A_68, %rem3A_57 : vector<16xi1>, vector<16xi32>
      %swap3A = arith.index_cast %mul3A_48 : i32 to index
      %swap3A_70 = tpu.vector_load %arg7[%swap3A] {strides = array<i32>} : memref<256xi32, #tpu.memory_space<vmem>>, vector<16xi32>,
      %swap3A_71 = vector.shape_cast %swap3A_70 : vector<16xi32> to vector<16xi32>
      %swap3A_72 = vector.shape_cast %select_n3A_69 : vector<16xi32> to vector<16xi32>
      tpu.vector_store %arg7[%swap3A], %swap3A_72 {strides = array<i32>} : memref<256xi32, #tpu.memory_space<vmem>>, vector<16xi32>,
      %mul3A_73 = arith.constant 1009 : i32
      %mul3A_74 = vector.broadcast %mul3A_73 : i32 to vector<16xi32>
      %mul3A_75 = arith.muli %get3A_46, %mul3A_74 : vector<16xi32>
      %add3A_76 = arith.constant 433 : i32
      %add3A_77 = vector.broadcast %add3A_76 : i32 to vector<16xi32>
      %add3A_78 = arith.addi %mul3A_75, %add3A_77 : vector<16xi32>
      %jit3A_79 = arith.constant 100000 : i32
      %eq3A_80 = arith.constant 0 : i32
      %eq3A_81 = arith.cmpi eq, %jit3A_79, %eq3A_80 : i32
      %jit3A_82 = arith.constant 1 : i32
      %select_n3A_83 = arith.select %eq3A_81, %jit3A_82, %jit3A_79 : i32
      %rem3A_84 = vector.broadcast %select_n3A_83 : i32 to vector<16xi32>
      %rem3A_85 = arith.remsi %add3A_78, %rem3A_84 : vector<16xi32>
      %ne3A_86 = arith.constant 0 : i32
      %ne3A_87 = vector.broadcast %ne3A_86 : i32 to vector<16xi32>
      %ne3A_88 = arith.cmpi ne, %rem3A_85, %ne3A_87 : vector<16xi32>
      %lt3A_89 = arith.constant 0 : i32
      %lt3A_90 = vector.broadcast %lt3A_89 : i32 to vector<16xi32>
      %lt3A_91 = arith.cmpi slt, %rem3A_85, %lt3A_90 : vector<16xi32>
      %lt3A_92 = arith.constant 0 : i32
      %lt3A_93 = arith.cmpi slt, %select_n3A_83, %lt3A_92 : i32
      %ne3A_94 = vector.broadcast %lt3A_93 : i1 to vector<16xi1>
      %ne3A_95 = vector.broadcast %ne3A_94 : vector<16xi1> to vector<16xi1>
      %ne3A_96 = arith.xori %lt3A_91, %ne3A_95 : vector<16xi1>
      %and3A_97 = arith.andi %ne3A_96, %ne3A_88 : vector<16xi1>
      %add3A_98 = vector.broadcast %select_n3A_83 : i32 to vector<16xi32>
      %add3A_99 = arith.addi %rem3A_85, %add3A_98 : vector<16xi32>
      %select_n3A_100 = arith.select %and3A_97, %add3A_99, %rem3A_85 : vector<16xi1>, vector<16xi32>
      %swap3A_101 = arith.index_cast %mul3A_48 : i32 to index
      %swap3A_102 = tpu.vector_load %arg8[%swap3A_101] {strides = array<i32>} : memref<256xi32, #tpu.memory_space<vmem>>, vector<16xi32>,
      %swap3A_103 = vector.shape_cast %swap3A_102 : vector<16xi32> to vector<16xi32>
      %swap3A_104 = vector.shape_cast %select_n3A_100 : vector<16xi32> to vector<16xi32>
      tpu.vector_store %arg8[%swap3A_101], %swap3A_104 {strides = array<i32>} : memref<256xi32, #tpu.memory_space<vmem>>, vector<16xi32>,
    }
    %scan3A_7 = arith.constant 16 : i32
    %dma_start3A = arith.constant 0 : i32
    %dma_start3A_8 = arith.constant 0 : i32
    %dma_start3A_9 = tpu.memref_slice %arg3[%dma_start3A, %dma_start3A_8] : memref<100000x128xf32, #tpu.memory_space<hbm>> -> memref<100000x128xf32, #tpu.memory_space<hbm>>
    tpu.enqueue_indirect_dma source(%dma_start3A_9 : memref<100000x128xf32, #tpu.memory_space<hbm>>) target(%arg9 : memref<256x128xf32, #tpu.memory_space<vmem>>) offsets(%arg7 : memref<256xi32, #tpu.memory_space<vmem>>) semaphore(%arg11 : memref<!tpu.dma_semaphore, #tpu.memory_space<semaphore_mem>>)
    %dma_start3A_10 = arith.constant 0 : i32
    %dma_start3A_11 = arith.constant 0 : i32
    %dma_start3A_12 = tpu.memref_slice %arg3[%dma_start3A_10, %dma_start3A_11] : memref<100000x128xf32, #tpu.memory_space<hbm>> -> memref<100000x128xf32, #tpu.memory_space<hbm>>
    tpu.enqueue_indirect_dma source(%dma_start3A_12 : memref<100000x128xf32, #tpu.memory_space<hbm>>) target(%arg10 : memref<256x128xf32, #tpu.memory_space<vmem>>) offsets(%arg8 : memref<256xi32, #tpu.memory_space<vmem>>) semaphore(%arg11 : memref<!tpu.dma_semaphore, #tpu.memory_space<semaphore_mem>>)
    %dma_wait3A = arith.constant 0 : i32
    %dma_wait3A_13 = arith.constant 0 : i32
    %dma_wait3A_14 = tpu.memref_slice %arg3[%dma_wait3A, %dma_wait3A_13] : memref<100000x128xf32, #tpu.memory_space<hbm>> -> memref<100000x128xf32, #tpu.memory_space<hbm>>
    tpu.wait_indirect_dma semaphore(%arg11 : memref<!tpu.dma_semaphore, #tpu.memory_space<semaphore_mem>>) src(%dma_wait3A_14 : memref<100000x128xf32, #tpu.memory_space<hbm>>) dst(%arg9 : memref<256x128xf32, #tpu.memory_space<vmem>>)
    %dma_wait3A_15 = arith.constant 0 : i32
    %dma_wait3A_16 = arith.constant 0 : i32
    %dma_wait3A_17 = tpu.memref_slice %arg3[%dma_wait3A_15, %dma_wait3A_16] : memref<100000x128xf32, #tpu.memory_space<hbm>> -> memref<100000x128xf32, #tpu.memory_space<hbm>>
    tpu.wait_indirect_dma semaphore(%arg11 : memref<!tpu.dma_semaphore, #tpu.memory_space<semaphore_mem>>) src(%dma_wait3A_17 : memref<100000x128xf32, #tpu.memory_space<hbm>>) dst(%arg10 : memref<256x128xf32, #tpu.memory_space<vmem>>)
    %add3A_18 = arith.constant 0 : i32
    %add3A_19 = arith.addi %mul3A_2, %add3A_18 : i32
    "tpu.region"() ({
      %run_scoped3A = tpu.sem_alloc : memref<!tpu.dma_semaphore, #tpu.memory_space<semaphore_mem>>
      %dma_start3A_40 = arith.constant 0 : i32
      %dma_start3A_41 = tpu.memref_slice %arg4[%add3A_19, %dma_start3A_40] : memref<16384x128xf32, #tpu.memory_space<hbm>> -> memref<256x128xf32, #tpu.memory_space<hbm>>
      %dma_start3A_42 = arith.constant 0 : i32
      %dma_start3A_43 = tpu.memref_slice %arg4[%add3A_19, %dma_start3A_42] : memref<16384x128xf32, #tpu.memory_space<hbm>> -> memref<256x128xf32, #tpu.memory_space<hbm>>
      tpu.enqueue_dma source(%arg9 : memref<256x128xf32, #tpu.memory_space<vmem>>) target(%dma_start3A_43 : memref<256x128xf32, #tpu.memory_space<hbm>>) target_semaphore(%run_scoped3A : memref<!tpu.dma_semaphore, #tpu.memory_space<semaphore_mem>>)
      %dma_wait3A_44 = arith.constant 0 : i32
      %dma_wait3A_45 = tpu.memref_slice %arg4[%add3A_19, %dma_wait3A_44] : memref<16384x128xf32, #tpu.memory_space<hbm>> -> memref<256x128xf32, #tpu.memory_space<hbm>>
      %dma_wait3A_46 = arith.constant 0 : i32
      %dma_wait3A_47 = tpu.memref_slice %arg4[%add3A_19, %dma_wait3A_46] : memref<16384x128xf32, #tpu.memory_space<hbm>> -> memref<256x128xf32, #tpu.memory_space<hbm>>
      tpu.wait_dma2 semaphore(%run_scoped3A : memref<!tpu.dma_semaphore, #tpu.memory_space<semaphore_mem>>) src(%arg9 : memref<256x128xf32, #tpu.memory_space<vmem>>) dst(%dma_wait3A_47 : memref<256x128xf32, #tpu.memory_space<hbm>>)
      tpu.yield
    }) : () -> ()
    "tpu.region"() ({
      %run_scoped3A = tpu.sem_alloc : memref<!tpu.dma_semaphore, #tpu.memory_space<semaphore_mem>>
      %dma_start3A_40 = arith.constant 0 : i32
      %dma_start3A_41 = tpu.memref_slice %arg5[%add3A_19, %dma_start3A_40] : memref<16384x128xf32, #tpu.memory_space<hbm>> -> memref<256x128xf32, #tpu.memory_space<hbm>>
      %dma_start3A_42 = arith.constant 0 : i32
      %dma_start3A_43 = tpu.memref_slice %arg5[%add3A_19, %dma_start3A_42] : memref<16384x128xf32, #tpu.memory_space<hbm>> -> memref<256x128xf32, #tpu.memory_space<hbm>>
      tpu.enqueue_dma source(%arg10 : memref<256x128xf32, #tpu.memory_space<vmem>>) target(%dma_start3A_43 : memref<256x128xf32, #tpu.memory_space<hbm>>) target_semaphore(%run_scoped3A : memref<!tpu.dma_semaphore, #tpu.memory_space<semaphore_mem>>)
      %dma_wait3A_44 = arith.constant 0 : i32
      %dma_wait3A_45 = tpu.memref_slice %arg5[%add3A_19, %dma_wait3A_44] : memref<16384x128xf32, #tpu.memory_space<hbm>> -> memref<256x128xf32, #tpu.memory_space<hbm>>
      %dma_wait3A_46 = arith.constant 0 : i32
      %dma_wait3A_47 = tpu.memref_slice %arg5[%add3A_19, %dma_wait3A_46] : memref<16384x128xf32, #tpu.memory_space<hbm>> -> memref<256x128xf32, #tpu.memory_space<hbm>>
      tpu.wait_dma2 semaphore(%run_scoped3A : memref<!tpu.dma_semaphore, #tpu.memory_space<semaphore_mem>>) src(%arg10 : memref<256x128xf32, #tpu.memory_space<vmem>>) dst(%dma_wait3A_47 : memref<256x128xf32, #tpu.memory_space<hbm>>)
      tpu.yield
    }) : () -> ()
    %scan3A_20 = arith.constant 0 : i32
    %scan3A_21 = arith.constant 0 : i32
    %scan3A_22 = arith.constant 16 : i32
    %scan3A_23 = arith.addi %scan3A_21, %scan3A_22 : i32
    %scan3A_24 = arith.constant 1 : i32
    scf.for %scan3A_40 = %scan3A_21 to %scan3A_23 step %scan3A_24  : i32 {
      %mul3A_41 = arith.constant 16 : i32
      %mul3A_42 = arith.muli %scan3A_40, %mul3A_41 : i32
      %add3A_43 = arith.constant 256 : i32
      %add3A_44 = arith.addi %add3A_43, %mul3A_42 : i32
      %get3A = arith.index_cast %add3A_44 : i32 to index
      %get3A_45 = tpu.vector_load %arg6[%get3A] {strides = array<i32>} : memref<512xi32, #tpu.memory_space<vmem>>, vector<16xi32>,
      %get3A_46 = vector.shape_cast %get3A_45 : vector<16xi32> to vector<16xi32>
      %mul3A_47 = arith.constant 16 : i32
      %mul3A_48 = arith.muli %scan3A_40, %mul3A_47 : i32
      %mul3A_49 = arith.constant 31 : i32
      %mul3A_50 = vector.broadcast %mul3A_49 : i32 to vector<16xi32>
      %mul3A_51 = arith.muli %get3A_46, %mul3A_50 : vector<16xi32>
      %add3A_52 = arith.constant 7 : i32
      %add3A_53 = vector.broadcast %add3A_52 : i32 to vector<16xi32>
      %add3A_54 = arith.addi %mul3A_51, %add3A_53 : vector<16xi32>
      %jit3A = arith.constant 100000 : i32
      %eq3A = arith.constant 0 : i32
      %eq3A_55 = arith.cmpi eq, %jit3A, %eq3A : i32
      %jit3A_56 = arith.constant 1 : i32
      %select_n3A = arith.select %eq3A_55, %jit3A_56, %jit3A : i32
      %rem3A = vector.broadcast %select_n3A : i32 to vector<16xi32>
      %rem3A_57 = arith.remsi %add3A_54, %rem3A : vector<16xi32>
      %ne3A = arith.constant 0 : i32
      %ne3A_58 = vector.broadcast %ne3A : i32 to vector<16xi32>
      %ne3A_59 = arith.cmpi ne, %rem3A_57, %ne3A_58 : vector<16xi32>
      %lt3A = arith.constant 0 : i32
      %lt3A_60 = vector.broadcast %lt3A : i32 to vector<16xi32>
      %lt3A_61 = arith.cmpi slt, %rem3A_57, %lt3A_60 : vector<16xi32>
      %lt3A_62 = arith.constant 0 : i32
      %lt3A_63 = arith.cmpi slt, %select_n3A, %lt3A_62 : i32
      %ne3A_64 = vector.broadcast %lt3A_63 : i1 to vector<16xi1>
      %ne3A_65 = vector.broadcast %ne3A_64 : vector<16xi1> to vector<16xi1>
      %ne3A_66 = arith.xori %lt3A_61, %ne3A_65 : vector<16xi1>
      %and3A = arith.andi %ne3A_66, %ne3A_59 : vector<16xi1>
      %add3A_67 = vector.broadcast %select_n3A : i32 to vector<16xi32>
      %add3A_68 = arith.addi %rem3A_57, %add3A_67 : vector<16xi32>
      %select_n3A_69 = arith.select %and3A, %add3A_68, %rem3A_57 : vector<16xi1>, vector<16xi32>
      %swap3A = arith.index_cast %mul3A_48 : i32 to index
      %swap3A_70 = tpu.vector_load %arg7[%swap3A] {strides = array<i32>} : memref<256xi32, #tpu.memory_space<vmem>>, vector<16xi32>,
      %swap3A_71 = vector.shape_cast %swap3A_70 : vector<16xi32> to vector<16xi32>
      %swap3A_72 = vector.shape_cast %select_n3A_69 : vector<16xi32> to vector<16xi32>
      tpu.vector_store %arg7[%swap3A], %swap3A_72 {strides = array<i32>} : memref<256xi32, #tpu.memory_space<vmem>>, vector<16xi32>,
      %mul3A_73 = arith.constant 1009 : i32
      %mul3A_74 = vector.broadcast %mul3A_73 : i32 to vector<16xi32>
      %mul3A_75 = arith.muli %get3A_46, %mul3A_74 : vector<16xi32>
      %add3A_76 = arith.constant 433 : i32
      %add3A_77 = vector.broadcast %add3A_76 : i32 to vector<16xi32>
      %add3A_78 = arith.addi %mul3A_75, %add3A_77 : vector<16xi32>
      %jit3A_79 = arith.constant 100000 : i32
      %eq3A_80 = arith.constant 0 : i32
      %eq3A_81 = arith.cmpi eq, %jit3A_79, %eq3A_80 : i32
      %jit3A_82 = arith.constant 1 : i32
      %select_n3A_83 = arith.select %eq3A_81, %jit3A_82, %jit3A_79 : i32
      %rem3A_84 = vector.broadcast %select_n3A_83 : i32 to vector<16xi32>
      %rem3A_85 = arith.remsi %add3A_78, %rem3A_84 : vector<16xi32>
      %ne3A_86 = arith.constant 0 : i32
      %ne3A_87 = vector.broadcast %ne3A_86 : i32 to vector<16xi32>
      %ne3A_88 = arith.cmpi ne, %rem3A_85, %ne3A_87 : vector<16xi32>
      %lt3A_89 = arith.constant 0 : i32
      %lt3A_90 = vector.broadcast %lt3A_89 : i32 to vector<16xi32>
      %lt3A_91 = arith.cmpi slt, %rem3A_85, %lt3A_90 : vector<16xi32>
      %lt3A_92 = arith.constant 0 : i32
      %lt3A_93 = arith.cmpi slt, %select_n3A_83, %lt3A_92 : i32
      %ne3A_94 = vector.broadcast %lt3A_93 : i1 to vector<16xi1>
      %ne3A_95 = vector.broadcast %ne3A_94 : vector<16xi1> to vector<16xi1>
      %ne3A_96 = arith.xori %lt3A_91, %ne3A_95 : vector<16xi1>
      %and3A_97 = arith.andi %ne3A_96, %ne3A_88 : vector<16xi1>
      %add3A_98 = vector.broadcast %select_n3A_83 : i32 to vector<16xi32>
      %add3A_99 = arith.addi %rem3A_85, %add3A_98 : vector<16xi32>
      %select_n3A_100 = arith.select %and3A_97, %add3A_99, %rem3A_85 : vector<16xi1>, vector<16xi32>
      %swap3A_101 = arith.index_cast %mul3A_48 : i32 to index
      %swap3A_102 = tpu.vector_load %arg8[%swap3A_101] {strides = array<i32>} : memref<256xi32, #tpu.memory_space<vmem>>, vector<16xi32>,
      %swap3A_103 = vector.shape_cast %swap3A_102 : vector<16xi32> to vector<16xi32>
      %swap3A_104 = vector.shape_cast %select_n3A_100 : vector<16xi32> to vector<16xi32>
      tpu.vector_store %arg8[%swap3A_101], %swap3A_104 {strides = array<i32>} : memref<256xi32, #tpu.memory_space<vmem>>, vector<16xi32>,
    }
    %scan3A_25 = arith.constant 16 : i32
    %dma_start3A_26 = arith.constant 0 : i32
    %dma_start3A_27 = arith.constant 0 : i32
    %dma_start3A_28 = tpu.memref_slice %arg3[%dma_start3A_26, %dma_start3A_27] : memref<100000x128xf32, #tpu.memory_space<hbm>> -> memref<100000x128xf32, #tpu.memory_space<hbm>>
    tpu.enqueue_indirect_dma source(%dma_start3A_28 : memref<100000x128xf32, #tpu.memory_space<hbm>>) target(%arg9 : memref<256x128xf32, #tpu.memory_space<vmem>>) offsets(%arg7 : memref<256xi32, #tpu.memory_space<vmem>>) semaphore(%arg11 : memref<!tpu.dma_semaphore, #tpu.memory_space<semaphore_mem>>)
    %dma_start3A_29 = arith.constant 0 : i32
    %dma_start3A_30 = arith.constant 0 : i32
    %dma_start3A_31 = tpu.memref_slice %arg3[%dma_start3A_29, %dma_start3A_30] : memref<100000x128xf32, #tpu.memory_space<hbm>> -> memref<100000x128xf32, #tpu.memory_space<hbm>>
    tpu.enqueue_indirect_dma source(%dma_start3A_31 : memref<100000x128xf32, #tpu.memory_space<hbm>>) target(%arg10 : memref<256x128xf32, #tpu.memory_space<vmem>>) offsets(%arg8 : memref<256xi32, #tpu.memory_space<vmem>>) semaphore(%arg11 : memref<!tpu.dma_semaphore, #tpu.memory_space<semaphore_mem>>)
    %dma_wait3A_32 = arith.constant 0 : i32
    %dma_wait3A_33 = arith.constant 0 : i32
    %dma_wait3A_34 = tpu.memref_slice %arg3[%dma_wait3A_32, %dma_wait3A_33] : memref<100000x128xf32, #tpu.memory_space<hbm>> -> memref<100000x128xf32, #tpu.memory_space<hbm>>
    tpu.wait_indirect_dma semaphore(%arg11 : memref<!tpu.dma_semaphore, #tpu.memory_space<semaphore_mem>>) src(%dma_wait3A_34 : memref<100000x128xf32, #tpu.memory_space<hbm>>) dst(%arg9 : memref<256x128xf32, #tpu.memory_space<vmem>>)
    %dma_wait3A_35 = arith.constant 0 : i32
    %dma_wait3A_36 = arith.constant 0 : i32
    %dma_wait3A_37 = tpu.memref_slice %arg3[%dma_wait3A_35, %dma_wait3A_36] : memref<100000x128xf32, #tpu.memory_space<hbm>> -> memref<100000x128xf32, #tpu.memory_space<hbm>>
    tpu.wait_indirect_dma semaphore(%arg11 : memref<!tpu.dma_semaphore, #tpu.memory_space<semaphore_mem>>) src(%dma_wait3A_37 : memref<100000x128xf32, #tpu.memory_space<hbm>>) dst(%arg10 : memref<256x128xf32, #tpu.memory_space<vmem>>)
    %add3A_38 = arith.constant 256 : i32
    %add3A_39 = arith.addi %mul3A_2, %add3A_38 : i32
    "tpu.region"() ({
      %run_scoped3A = tpu.sem_alloc : memref<!tpu.dma_semaphore, #tpu.memory_space<semaphore_mem>>
      %dma_start3A_40 = arith.constant 0 : i32
      %dma_start3A_41 = tpu.memref_slice %arg4[%add3A_39, %dma_start3A_40] : memref<16384x128xf32, #tpu.memory_space<hbm>> -> memref<256x128xf32, #tpu.memory_space<hbm>>
      %dma_start3A_42 = arith.constant 0 : i32
      %dma_start3A_43 = tpu.memref_slice %arg4[%add3A_39, %dma_start3A_42] : memref<16384x128xf32, #tpu.memory_space<hbm>> -> memref<256x128xf32, #tpu.memory_space<hbm>>
      tpu.enqueue_dma source(%arg9 : memref<256x128xf32, #tpu.memory_space<vmem>>) target(%dma_start3A_43 : memref<256x128xf32, #tpu.memory_space<hbm>>) target_semaphore(%run_scoped3A : memref<!tpu.dma_semaphore, #tpu.memory_space<semaphore_mem>>)
      %dma_wait3A_44 = arith.constant 0 : i32
      %dma_wait3A_45 = tpu.memref_slice %arg4[%add3A_39, %dma_wait3A_44] : memref<16384x128xf32, #tpu.memory_space<hbm>> -> memref<256x128xf32, #tpu.memory_space<hbm>>
      %dma_wait3A_46 = arith.constant 0 : i32
      %dma_wait3A_47 = tpu.memref_slice %arg4[%add3A_39, %dma_wait3A_46] : memref<16384x128xf32, #tpu.memory_space<hbm>> -> memref<256x128xf32, #tpu.memory_space<hbm>>
      tpu.wait_dma2 semaphore(%run_scoped3A : memref<!tpu.dma_semaphore, #tpu.memory_space<semaphore_mem>>) src(%arg9 : memref<256x128xf32, #tpu.memory_space<vmem>>) dst(%dma_wait3A_47 : memref<256x128xf32, #tpu.memory_space<hbm>>)
      tpu.yield
    }) : () -> ()
    "tpu.region"() ({
      %run_scoped3A = tpu.sem_alloc : memref<!tpu.dma_semaphore, #tpu.memory_space<semaphore_mem>>
      %dma_start3A_40 = arith.constant 0 : i32
      %dma_start3A_41 = tpu.memref_slice %arg5[%add3A_39, %dma_start3A_40] : memref<16384x128xf32, #tpu.memory_space<hbm>> -> memref<256x128xf32, #tpu.memory_space<hbm>>
      %dma_start3A_42 = arith.constant 0 : i32
      %dma_start3A_43 = tpu.memref_slice %arg5[%add3A_39, %dma_start3A_42] : memref<16384x128xf32, #tpu.memory_space<hbm>> -> memref<256x128xf32, #tpu.memory_space<hbm>>
      tpu.enqueue_dma source(%arg10 : memref<256x128xf32, #tpu.memory_space<vmem>>) target(%dma_start3A_43 : memref<256x128xf32, #tpu.memory_space<hbm>>) target_semaphore(%run_scoped3A : memref<!tpu.dma_semaphore, #tpu.memory_space<semaphore_mem>>)
      %dma_wait3A_44 = arith.constant 0 : i32
      %dma_wait3A_45 = tpu.memref_slice %arg5[%add3A_39, %dma_wait3A_44] : memref<16384x128xf32, #tpu.memory_space<hbm>> -> memref<256x128xf32, #tpu.memory_space<hbm>>
      %dma_wait3A_46 = arith.constant 0 : i32
      %dma_wait3A_47 = tpu.memref_slice %arg5[%add3A_39, %dma_wait3A_46] : memref<16384x128xf32, #tpu.memory_space<hbm>> -> memref<256x128xf32, #tpu.memory_space<hbm>>
      tpu.wait_dma2 semaphore(%run_scoped3A : memref<!tpu.dma_semaphore, #tpu.memory_space<semaphore_mem>>) src(%arg10 : memref<256x128xf32, #tpu.memory_space<vmem>>) dst(%dma_wait3A_47 : memref<256x128xf32, #tpu.memory_space<hbm>>)
      tpu.yield
    }) : () -> ()
    return
  }
}

module attributes {stable_mosaic.version = 14 : i64} {
  func.func @_pad_body(%arg0: i32, %arg1: memref<100x8192xf32, #tpu.memory_space<vmem>>, %arg2: memref<8192x128xf32, #tpu.memory_space<vmem>>) attributes {dimension_semantics = [#tpu.dimension_semantics<arbitrary>], iteration_bounds = array<i64: 13>, scalar_prefetch = 0 : i64, scratch_operands = 0 : i64, tpu.core_type = #tpu.core_type<tc>, window_params = [{transform_indices = @transform_0, window_bounds = array<i64: 100, 8192>}, {transform_indices = @transform_1, window_bounds = array<i64: 8192, 128>}]} {
    %get3A = arith.constant 0 : index
    %get3A_0 = arith.constant 0 : index
    %get3A_1 = vector.load %arg1[%get3A, %get3A_0] : memref<100x8192xf32, #tpu.memory_space<vmem>>, vector<100x8192xf32>
    %transpose3A = tpu.transpose %get3A_1, [1, 0] : vector<100x8192xf32> -> vector<8192x100xf32>
    %swap3A = arith.constant 0 : index
    %swap3A_2 = arith.constant 0 : index
    %swap3A_3 = vector.load %arg2[%swap3A, %swap3A_2] : memref<8192x128xf32, #tpu.memory_space<vmem>>, vector<8192x100xf32>
    tpu.vector_store %arg2[%swap3A, %swap3A_2], %transpose3A {strides = array<i32>} : memref<8192x128xf32, #tpu.memory_space<vmem>>, vector<8192x100xf32>,
    %broadcast_in_dim3A = arith.constant 0.000000e+00 : f32
    %broadcast_in_dim3A_4 = vector.broadcast %broadcast_in_dim3A : f32 to vector<8192x28xf32>
    %swap3A_5 = arith.constant 0 : index
    %swap3A_6 = arith.constant 100 : index
    %swap3A_7 = vector.load %arg2[%swap3A_5, %swap3A_6] : memref<8192x128xf32, #tpu.memory_space<vmem>>, vector<8192x28xf32>
    tpu.vector_store %arg2[%swap3A_5, %swap3A_6], %broadcast_in_dim3A_4 {strides = array<i32>} : memref<8192x128xf32, #tpu.memory_space<vmem>>, vector<8192x28xf32>,
    return
  }
  func.func @transform_0(%arg0: i32) -> (i32, i32) {
    %c0_i32 = arith.constant 0 : i32
    %c0_i32_0 = arith.constant 0 : i32
    return %c0_i32, %arg0 : i32, i32
  }
  func.func @transform_1(%arg0: i32) -> (i32, i32) {
    %c0_i32 = arith.constant 0 : i32
    %c0_i32_0 = arith.constant 0 : i32
    return %arg0, %c0_i32 : i32, i32
  }
}

module attributes {stable_mosaic.version = 14 : i64} {
  func.func @_tc_head_body(%arg0: i32, %arg1: memref<4096x128xf32, #tpu.memory_space<vmem>>, %arg2: memref<4096x128xf32, #tpu.memory_space<vmem>>, %arg3: memref<4096xf32, #tpu.memory_space<vmem>>, %arg4: memref<4096xf32, #tpu.memory_space<vmem>>, %arg5: memref<300x128xf32, #tpu.memory_space<vmem>>, %arg6: memref<300x1xf32, #tpu.memory_space<vmem>>, %arg7: memref<300x4096xf32, #tpu.memory_space<vmem>>) attributes {dimension_semantics = [#tpu.dimension_semantics<arbitrary>], iteration_bounds = array<i64: 4>, scalar_prefetch = 0 : i64, scratch_operands = 0 : i64, tpu.core_type = #tpu.core_type<tc>, window_params = [{transform_indices = @transform_0, window_bounds = array<i64: 4096, 128>}, {transform_indices = @transform_1, window_bounds = array<i64: 4096, 128>}, {transform_indices = @transform_2, window_bounds = array<i64: 4096>}, {transform_indices = @transform_3, window_bounds = array<i64: 4096>}, {pipeline_mode = #tpu.pipeline_mode<synchronous>, transform_indices = @transform_4, window_bounds = array<i64: 300, 128>}, {pipeline_mode = #tpu.pipeline_mode<synchronous>, transform_indices = @transform_5, window_bounds = array<i64: 300, 1>}, {transform_indices = @transform_6, window_bounds = array<i64: 300, 4096>}]} {
    %get3A = arith.constant 0 : index
    %get3A_0 = arith.constant 0 : index
    %get3A_1 = vector.load %arg1[%get3A, %get3A_0] : memref<4096x128xf32, #tpu.memory_space<vmem>>, vector<4096x128xf32>
    %get3A_2 = arith.constant 0 : index
    %get3A_3 = arith.constant 0 : index
    %get3A_4 = vector.load %arg2[%get3A_2, %get3A_3] : memref<4096x128xf32, #tpu.memory_space<vmem>>, vector<4096x128xf32>
    %get3A_5 = arith.constant 0 : index
    %get3A_6 = vector.load %arg3[%get3A_5] : memref<4096xf32, #tpu.memory_space<vmem>>, vector<4096xf32>
    %reshape3A = vector.shape_cast %get3A_6 : vector<4096xf32> to vector<4096x1xf32>
    %get3A_7 = arith.constant 0 : index
    %get3A_8 = vector.load %arg4[%get3A_7] : memref<4096xf32, #tpu.memory_space<vmem>>, vector<4096xf32>
    %reshape3A_9 = vector.shape_cast %get3A_8 : vector<4096xf32> to vector<4096x1xf32>
    %mul3A = vector.broadcast %reshape3A : vector<4096x1xf32> to vector<4096x128xf32>
    %mul3A_10 = arith.mulf %mul3A, %get3A_1 : vector<4096x128xf32>
    %mul3A_11 = vector.broadcast %reshape3A_9 : vector<4096x1xf32> to vector<4096x128xf32>
    %mul3A_12 = arith.mulf %mul3A_11, %get3A_4 : vector<4096x128xf32>
    %add3A = arith.addf %mul3A_10, %mul3A_12 : vector<4096x128xf32>
    %get3A_13 = arith.constant 0 : index
    %get3A_14 = arith.constant 0 : index
    %get3A_15 = vector.load %arg5[%get3A_13, %get3A_14] : memref<300x128xf32, #tpu.memory_space<vmem>>, vector<300x128xf32>
    %dot_general3A = arith.constant dense<0.000000e+00> : vector<300x4096xf32>
    %dot_general3A_16 = tpu.matmul %get3A_15, %add3A, %dot_general3A {dimension_numbers = #tpu.dot_dimension_numbers<[1], [1], [0], [0], [0, 0, 1, 0], [], []>, transpose_lhs_hint = false} : vector<300x128xf32>, vector<4096x128xf32>, vector<300x4096xf32> -> vector<300x4096xf32>
    %get3A_17 = arith.constant 0 : index
    %get3A_18 = arith.constant 0 : index
    %get3A_19 = vector.load %arg6[%get3A_17, %get3A_18] : memref<300x1xf32, #tpu.memory_space<vmem>>, vector<300x1xf32>
    %add3A_20 = vector.broadcast %get3A_19 : vector<300x1xf32> to vector<300x4096xf32>
    %add3A_21 = arith.addf %dot_general3A_16, %add3A_20 : vector<300x4096xf32>
    %reduce_max3A = arith.constant dense<0xFF800000> : vector<4096xf32>
    %reduce_max3A_22 = vector.multi_reduction <maximumf>, %add3A_21, %reduce_max3A [0] : vector<300x4096xf32> to vector<4096xf32>
    %broadcast_in_dim3A = vector.shape_cast %reduce_max3A_22 : vector<4096xf32> to vector<1x4096xf32>
    %sub3A = vector.broadcast %broadcast_in_dim3A : vector<1x4096xf32> to vector<300x4096xf32>
    %sub3A_23 = arith.subf %add3A_21, %sub3A : vector<300x4096xf32>
    %exp3A = math.exp %sub3A_23 : vector<300x4096xf32>
    %reduce_sum3A = arith.constant dense<0.000000e+00> : vector<4096xf32>
    %reduce_sum3A_24 = vector.multi_reduction <add>, %exp3A, %reduce_sum3A [0] : vector<300x4096xf32> to vector<4096xf32>
    %broadcast_in_dim3A_25 = vector.shape_cast %reduce_sum3A_24 : vector<4096xf32> to vector<1x4096xf32>
    %sub3A_26 = vector.broadcast %broadcast_in_dim3A : vector<1x4096xf32> to vector<300x4096xf32>
    %sub3A_27 = arith.subf %add3A_21, %sub3A_26 : vector<300x4096xf32>
    %log3A = math.log %broadcast_in_dim3A_25 : vector<1x4096xf32>
    %sub3A_28 = vector.broadcast %log3A : vector<1x4096xf32> to vector<300x4096xf32>
    %sub3A_29 = arith.subf %sub3A_27, %sub3A_28 : vector<300x4096xf32>
    %swap3A = arith.constant 0 : index
    %swap3A_30 = arith.constant 0 : index
    %swap3A_31 = vector.load %arg7[%swap3A, %swap3A_30] : memref<300x4096xf32, #tpu.memory_space<vmem>>, vector<300x4096xf32>
    tpu.vector_store %arg7[%swap3A, %swap3A_30], %sub3A_29 {strides = array<i32>} : memref<300x4096xf32, #tpu.memory_space<vmem>>, vector<300x4096xf32>,
    return
  }
  func.func @transform_0(%arg0: i32) -> (i32, i32) {
    %c0_i32 = arith.constant 0 : i32
    %c0_i32_0 = arith.constant 0 : i32
    return %arg0, %c0_i32 : i32, i32
  }
  func.func @transform_1(%arg0: i32) -> (i32, i32) {
    %c0_i32 = arith.constant 0 : i32
    %c0_i32_0 = arith.constant 0 : i32
    return %arg0, %c0_i32 : i32, i32
  }
  func.func @transform_2(%arg0: i32) -> i32 {
    %c0_i32 = arith.constant 0 : i32
    return %arg0 : i32
  }
  func.func @transform_3(%arg0: i32) -> i32 {
    %c0_i32 = arith.constant 0 : i32
    return %arg0 : i32
  }
  func.func @transform_4(%arg0: i32) -> (i32, i32) {
    %c0_i32 = arith.constant 0 : i32
    %c0_i32_0 = arith.constant 0 : i32
    %c0_i32_1 = arith.constant 0 : i32
    return %c0_i32, %c0_i32_0 : i32, i32
  }
  func.func @transform_5(%arg0: i32) -> (i32, i32) {
    %c0_i32 = arith.constant 0 : i32
    %c0_i32_0 = arith.constant 0 : i32
    %c0_i32_1 = arith.constant 0 : i32
    return %c0_i32, %c0_i32_0 : i32, i32
  }
  func.func @transform_6(%arg0: i32) -> (i32, i32) {
    %c0_i32 = arith.constant 0 : i32
    %c0_i32_0 = arith.constant 0 : i32
    return %c0_i32, %arg0 : i32, i32
  }
}

</mosaic_0001>

<sc_bundles>
// kernel: kernel.6.cloned.1.call-start
scs
__scs_entry_jumppad:
0x0: {  	(pc) =	sbr.rel $0x88, $3  }
0x1: {  	(tag) =	ssettag $0x0;
	lr =	simm.s32 $0x1  }
0x2: {  	[smem:$0x3F9C] =	sst lr;
	_ =	strace $0xD0000000  }
0x3: {  	_ = 	snop  }
0x4: {  	_ = 	snop  }
0x5: {  	_ = 	snop  }
0x6: {  	_ = 	snop  }
0x7: {  	_ = 	snop  }
__scs_overlays_trampoline_lowered:
0x8: {  	[smem:$0x3FAB] =	sst s0  }
0x9: {  	[smem:$0x3FAC] =	sst s1  }
0xa: {  	[smem:$0x3FAD] =	sst s2  }
0xb: {  	[smem:$0x3FAE] =	sst s3  }
0xc: {  	[smem:$0x3FAF] =	sst s4  }
0xd: {  	[smem:$0x3FB0] =	sst s5  }
0xe: {  	[smem:$0x3FB1] =	sst s6  }
0xf: {  	[smem:$0x3FB2] =	sst s7  }
0x10: {  	[smem:$0x3FB3] =	sst s8  }
0x11: {  	[smem:$0x3FB4] =	sst s9;
	s0 =	simm.s32 @!p0 $0x0  }
0x12: {  	s1 =	sld [smem:$0x3F9A];
	s0 =	simm.s32 @p0 $0x1  }
0x13: {  	[smem:$0x3FB5] =	sst s0;
	s0 =	simm.s32 @!p1 $0x0  }
0x14: {  	s2 =	sld [smem:$0x3F99];
	s0 =	simm.s32 @p1 $0x1  }
0x15: {  	[smem:$0x3FB6] =	sst s0;
	s0 =	simm.s32 @!p2 $0x0  }
0x16: {  	s3 =	sld [smem:$0x3FDB];
	s0 =	simm.s32 @p2 $0x1  }
0x17: {  	s4 =	simm.s32 $0x1BF5;
	[smem:$0x3FB8] =	sst s0  }
0x18: {  	s0 =	sld [smem:$0x3F9B];
	_ =	swait.ge [sflag:s4], $0x0  }
0x19: {  	s7 =	sld [smem:$0x3F9C]  }
0x1a: {  	s8 =	sadd.s32 $0xFFFFE003, lr  }
0x1b: {  	s9 =	sadd.s32 $0xFFFFFEF7, lr;
	s5 =	simm.s32 $0xFFFFFFFF;
	p2 =	slt.u32 s8, $0xFFFFF086  }
0x1c: {  	p1 =	slt.u32 s9, $0xF7A;
	s5 =	simm.s32 @!p2 $0x0  }
0x1d: {  	s5 =	simm.s32 @p1 $0x1;
	p0 =	seq.s32 s7, s2  }
0x1e: {  	s7 =	smul.u32 @!p0 $0xF7A, s2;
	p2 =	seq.s32 @!p0 s5, $0x0  }
0x1f: {  	s9 =	smul.u32 $0xF7A, s1;
	s8 =	simm.s32 @!p0 $0x1BF5;
	p2 =	por !p2, p0  }
0x20: {  	[sflag:s8] =	ssyncset.s32 @!p0 $0xFFFFF086;
	s6 =	sadd.s32 @!p0 s3, s7;
	s7 =	simm.s32 @!p0 $0x108  }
0x21: {  	s3 =	sadd.s32 s3, s9;
	s6 =	sadd.s32 @!p0 $0x88, s6;
	s7 =	simm.s32 @p2 $0x1082  }
0x22: {  	[simem:s7], [sflag:s8] =	dma.local @!p0 [hbm:s6], $0xF7A  }
0x23: {  	s9 =	sor.u32 $0xD0000000, s2;
	s6 =	simm.s32 $0x108;
	_ =	swait.ge @!p0 [sflag:s8], $0x0  }
0x24: {  	s3 =	sadd.s32 $0x88, s3;
	s6 =	simm.s32 @!p1 $0x1082;
	[sflag:s4] =	ssyncset.s32 $0xFFFFF086  }
0x25: {  	[simem:s6], [sflag:s4] =	dma.local [hbm:s3], $0xF7A  }
0x26: {  	[smem:$0x3F9C] =	sst s1;
	(tag) =	ssettag s2;
	_ =	strace s9  }
0x27: {  	s1 =	sld [smem:$0x3FAC]  }
0x28: {  	s2 =	sld [smem:$0x3FAD]  }
0x29: {  	s4 =	sld [smem:$0x3FAF]  }
0x2a: {  	p0 =	seq.s32 s5, $0x0;
	s5 =	sld [smem:$0x3FB0]  }
0x2b: {  	s6 =	sld [smem:$0x3FB1]  }
0x2c: {  	s7 =	sld [smem:$0x3FB2]  }
0x2d: {  	s3 =	simm.s32 $0x108;
	s8 =	sld [smem:$0x3FB3]  }
0x2e: {  	s3 =	simm.s32 @!p0 $0x1082;
	s9 =	sld [smem:$0x3FB4]  }
0x2f: {  	lr =	sadd.s32 s0, s3;
	s0 =	sld [smem:$0x3FAB]  }
0x30: {  	s3 =	sld [smem:$0x3FAE]  }
0x31: {  	[smem:$0x3FB7] =	sst s10  }
0x32: {  	s10 =	sld [smem:$0x3FB5];
	_ =	sdelay $0x3  }
0x33: {  	p0 =	seq.s32 s10, $0x1;
	s10 =	sld [smem:$0x3FB7];
	_ =	sdelay $0x3  }
0x34: {  	[smem:$0x3FB7] =	sst s10  }
0x35: {  	s10 =	sld [smem:$0x3FB6];
	_ =	sdelay $0x3  }
0x36: {  	p1 =	seq.s32 s10, $0x1;
	s10 =	sld [smem:$0x3FB7];
	_ =	sdelay $0x3  }
0x37: {  	[smem:$0x3FB7] =	sst s10  }
0x38: {  	s10 =	sld [smem:$0x3FB8]  }
0x39: {  	_ = 	snop;
	(pc) =	sbr.ind lr, $3  }
0x3a: {  	_ = 	snop  }
0x3b: {  	_ = 	snop  }
0x3c: {  	p2 =	seq.s32 s10, $0x1;
	s10 =	sld [smem:$0x3FB7]  }
0x3d: {  	_ =	shalt  }
0x3e: {  	_ =	shalt  }
0x3f: {  	_ =	shalt  }
0x40: {  	_ =	shalt  }
0x41: {  	_ =	shalt  }
0x42: {  	_ =	shalt  }
0x43: {  	_ =	shalt  }
0x44: {  	_ =	shalt  }
0x45: {  	_ =	shalt  }
0x46: {  	_ =	shalt  }
0x47: {  	_ =	shalt  }
0x48: {  	_ =	shalt  }
0x49: {  	_ =	shalt  }
0x4a: {  	_ =	shalt  }
0x4b: {  	_ =	shalt  }
0x4c: {  	_ =	shalt  }
0x4d: {  	_ =	shalt  }
0x4e: {  	_ =	shalt  }
0x4f: {  	_ =	shalt  }
0x50: {  	_ =	shalt  }
0x51: {  	_ =	shalt  }
0x52: {  	_ =	shalt  }
0x53: {  	_ =	shalt  }
0x54: {  	_ =	shalt  }
0x55: {  	_ =	shalt  }
0x56: {  	_ =	shalt  }
0x57: {  	_ =	shalt  }
0x58: {  	_ =	shalt  }
0x59: {  	_ =	shalt  }
0x5a: {  	_ =	shalt  }
0x5b: {  	_ =	shalt  }
0x5c: {  	_ =	shalt  }
0x5d: {  	_ =	shalt  }
0x5e: {  	_ =	shalt  }
0x5f: {  	_ =	shalt  }
0x60: {  	_ =	shalt  }
0x61: {  	_ =	shalt  }
0x62: {  	_ =	shalt  }
0x63: {  	_ =	shalt  }
0x64: {  	_ =	shalt  }
0x65: {  	_ =	shalt  }
0x66: {  	_ =	shalt  }
0x67: {  	_ =	shalt  }
0x68: {  	_ =	shalt  }
0x69: {  	_ =	shalt  }
0x6a: {  	_ =	shalt  }
0x6b: {  	_ =	shalt  }
0x6c: {  	_ =	shalt  }
0x6d: {  	_ =	shalt  }
0x6e: {  	_ =	shalt  }
0x6f: {  	_ =	shalt  }
0x70: {  	_ =	shalt  }
0x71: {  	_ =	shalt  }
0x72: {  	_ =	shalt  }
0x73: {  	_ =	shalt  }
0x74: {  	_ =	shalt  }
0x75: {  	_ =	shalt  }
0x76: {  	_ =	shalt  }
0x77: {  	_ =	shalt  }
0x78: {  	_ =	shalt  }
0x79: {  	_ =	shalt  }
0x7a: {  	_ =	shalt  }
0x7b: {  	_ =	shalt  }
0x7c: {  	_ =	shalt  }
0x7d: {  	_ =	shalt  }
0x7e: {  	_ =	shalt  }
0x7f: {  	_ =	shalt  }
0x80: {  	_ =	shalt  }
0x81: {  	_ =	shalt  }
0x82: {  	_ =	shalt  }
0x83: {  	_ =	shalt  }
0x84: {  	_ =	shalt  }
0x85: {  	_ =	shalt  }
0x86: {  	_ =	shalt  }
0x87: {  	_ =	shalt  }
.Lfunc_end0:
.L_simem_size_0:
called_computation_lowered:
.L_overlay_start_0:
0x88: {  	s2 =	sld [smem:$0x3FD9]  }
0x89: {  	s3 =	sld [smem:$0x3FFE];
	_ =	sdelay $0x1  }
0x8a: {  	s1 =	srdreg.scid  }
0x8b: {  	s0 =	sand.u32 $0x1, s1  }
0x8c: {  	s17 =	sshll.u32 s0, $0xA;
	s2 =	sadd.s32 s3, s2  }
0x8d: {  	s2 =	sadd.s32 s2, s17  }
0x8e: {  	[smem:$0x3FC3] =	sst s2  }
0x8f: {  	_ = 	snop  }
0x90: {  	s2 =	sld [smem:$0x3FC9]  }
0x91: {  	s18 =	sld [smem:$0x3FD0];
	(tm) =	ssettm $0x1  }
0x92: {  	s4 =	sld [smem:$0x3FFB];
	_ =	sdelay $0x3  }
0x93: {  	_ =	strace s4  }
0x94: {  	s4 =	sld [smem:$0x3FFC];
	_ =	sdelay $0x3  }
0x95: {  	_ =	strace s4  }
0x96: {  	s4 =	sld [smem:$0x3FFD];
	_ =	sdelay $0x3  }
0x97: {  	_ =	strace s4  }
0x98: {  	_ =	strace $0x8FFFFFFF  }
0x99: {  	s19 =	sld [smem:$0x3FDB];
	_ =	sdelay $0x1  }
0x9a: {  	s5 =	simm.s32 $_scs_section_size  }
0x9b: {  	s6 =	simm.s32 $_size__tile_overlayer_lowered;
	s7 =	simm.s32 $_tile_overlayer_lowered  }
0x9c: {  	s22 =	simm.s32 $0x1BFF;
	s21 =	sshll.u32 s7, $0x1;
	s4 =	sadd.s32 s5, s19  }
0x9d: {  	s8 =	simm.s32 $0x0;
	s20 =	sshll.u32 s6, $0x1;
	s6 =	sadd.s32 s21, s4  }
0x9e: {  	[timem:s8], [sflag:s22] =	dma.local [hbm:s6], s20  }
0x9f: {  	_ =	swait.ge [sflag:s22], s20  }
0xa0: {  	s5 =	ssub.s32 $0x0, s20;
	[sflag:s22] =	ssyncset.done $0x0  }
0xa1: {  	[sflag:s22] =	ssyncadd.s32 s5;
	_ =	sdelay $0x1  }
0xa2: {  	s23 =	simm.s32 $0x1B8B  }
0xa3: {  	_ =	swait.ge [sflag:s23], $0x1  }
0xa4: {  	[sflag:s23] =	ssyncset.done $0x0  }
0xa5: {  	s25 =	simm.s32 $0x1B8E;
	s24 =	sld [smem:$0x3FFE];
	[sflag:s23] =	ssyncadd.s32 $0xFFFFFFFF  }
0xa6: {  	s26 =	simm.s32 $execute0_lowered;
	[smem:$0x3FD2] =	sst s25  }
0xa7: {  	s6 =	sshll.u32 s26, $0x1;
	_ =	strace $0x80000046;
	[dreg:$0x1] =	wrdreg $0xFFFFFFFF  }
0xa8: {  	s28 =	simm.s32 $_size_execute0_lowered;
	s4 =	sadd.s32 s4, s6;
	[dreg:$0x0] =	wrdreg $0x0  }
0xa9: {  	s6 =	sshll.u32 s28, $0x1;
	[dreg:$0x2] =	wrdreg s4  }
0xaa: {  	[dreg:$0x3] =	wrdreg s6  }
0xab: {  	[dreg:$0x4] =	wrdreg $0xC0  }
0xac: {  	_ =	task [dreg:s8], $0x5FFFF  }
0xad: {  	[dreg:$0x1] =	wrdreg $0xFFFFFFFF  }
0xae: {  	[dreg:$0x0] =	wrdreg $0x60  }
0xaf: {  	[dreg:$0x2] =	wrdreg s2  }
0xb0: {  	[dreg:$0x3] =	wrdreg s24  }
0xb1: {  	[dreg:$0x4] =	wrdreg s18  }
0xb2: {  	[dreg:$0x5] =	wrdreg $0x9  }
0xb3: {  	_ =	task.clear_ibuf [dreg:s8], $0x6FFFF;
	_ =	strace $0x90000046  }
0xb4: {  	s29 =	simm.s32 $0x9;
	_ =	strace $0x80000048  }
0xb5: {  	_ =	swait.ge [sflag:s29], $0x1  }
0xb6: {  	[sflag:s29] =	ssyncadd.s32 $0xFFFFFFFF  }
0xb7: {  	_ =	strace $0x90000048  }
0xb8: {  	_ =	sfence  }
0xb9: {  	s30 =	sld [smem:$0x0];
	_ =	sdelay $0x2  }
0xba: {  	s31 =	sshll.u32 s1, $0xD;
	s1 =	sshrl.u32 s1, $0x2  }
0xbb: {  	s3 =	sand.u32 $0x4000, s31;
	s1 =	sadd.s32 s1, s30  }
0xbc: {  	s0 =	sor.u32 s3, s0;
	s1 =	sshll.u32 s1, $0x11  }
0xbd: {  	s0 =	sor.u32 s1, s0  }
0xbe: {  	s0 =	sadd.s32 $0x8F2B, s0  }
0xbf: {  	[sflag:s0] =	ssyncadd.remote.s32 $0x1  }
0xc0: {  	_ =	sfence.sel $0xFFFF  }
0xc1: {  	[dreg:$0x0] =	wrdreg $0xFFFFFFFF;
	(pc) =	sbr.abs _section_cstart, $3  }
0xc2: {  	[dreg:$0x1] =	wrdreg $0xFFFFFFFF  }
0xc3: {  	_ =	task.clear_ibuf [dreg:s8], $0x2FFFF;
	_ =	strace $0x9FFFFFFF  }
0xc4: {  	(tm) =	ssettm $0x7FFFFFFF  }
0xc5: {  	_ =	shalt  }
tec
execute0_lowered:
.L_overlay_start_1:
0x0: {  	(tag) =	ssettag $0x1  }
0x1: {  	s0 =	rddreg [dreg:$0x0]  }
0x2: {  	s1 =	rddreg [dreg:$0x1]  }
0x3: {  	s2 =	rddreg [dreg:$0x2];
	s7 =	simm.s32 $0x0;
	s3 =	srdreg.scid  }
0x4: {  	s5 =	stileid.u32;
	[smem:$0x7FF] =	sst s7;
	s3 =	sand.u32 $0x1, s3  }
0x5: {  	s5 =	sshll.u32 s5, $0xA;
	s28 =	ssub.s32 $0x2, s3;
	s3 =	sshll.u32 s3, $0x9  }
0x6: {  	s4 =	sadd.s32 $0x1C00, s1;
	s1 =	sadd.s32 $0x188600, s1;
	s3 =	sor.u32 s3, s5  }
0x7: {  	_ =	strace $0x80000047;
	[dreg:$0x1b] =	wrdreg s4;
	s5 =	sshrl.u32 s3, $0x3  }
0x8: {  	v0 =	vimm.s32 $0xECA86420;
	vm0 =	vcmask $0xB08;
	vm1 =	vcmask $0x1310;
	s6 =	sshrl.u32 s28, $0x1;
	s3 =	sshll.u32 s3, $0x4;
	s0 =	sadd.s32 s0, s5  }
0x9: {  	vm2 =	vcmask $0x1B18;
	vm3 =	vcmask $0x300;
	vm4 =	vcmask $0x2320;
	s4 =	ssub.s32 s28, s6;
	s29 =	sadd.s32 s2, s3;
	[dreg:$0x1c] =	wrdreg s0  }
0xa: {  	vm5 =	vcmask $0x2B28;
	vm6 =	vcmask $0x3330;
	vm7 =	vcmask $0x3B38;
	s30 =	sor.u32 $0x1000, s3;
	s3 =	sadd.s32 s1, s3;
	[dreg:$0x1d] =	wrdreg s29  }
0xb: {  	v1 =	vlaneseq.u32;
	vm10 =	vmmov $0xff;
	vm8 =	vcmask $0x704;
	s31 =	smax.u32 s4, $0x1;
	[dreg:$0x1e] =	wrdreg s3  }
0xc: {  	vm11 =	vcmask $0xF0C;
	vm9 =	vcmask $0x1714;
	v0 =	vunpack.c.l.s4.s8 v0;
	s2 =	sadd.s32 s2, s30;
	[smem:$0x7FD] =	sst s31  }
0xd: {  	vm12 =	vcmask $0x1F1C;
	vm13 =	vcmask $0x2724;
	vm14 =	vcmask $0x2F2C;
	s0 =	sadd.s32 s1, s30;
	[dreg:$0x1f] =	wrdreg s2  }
0xe: {  	vm15 =	vcmask $0x3734;
	v1 =	vmul.u32 $0x2, v1;
	v0 =	vunpack.c.0.s8.s32 v0;
	s1 =	simm.s32 $0x2;
	[smem:$0x7FC] =	sst s0;
	s2 =	simm.s32 $0x0  }
.LBB2_1:
0xf: {  	[smem:$0x7F4] =	sst s2  }
0x10: {  	s0 =	rddreg [dreg:$0x1c]  }
0x11: {  	[tilespmem:s7], [sflag:$0x2] =	stream.linear.gather [hbm4b:s0+s7], $0x200, $0x38;
	[tilespmem:$0x10400] =	vst v63  }
0x12: {  	_ =	swait.ge [sflag:s1], $0x200  }
0x13: {  	[sflag:s1] =	ssyncset.done $0x0  }
0x14: {  	s26 =	simm.s32 $0x0;
	[sflag:s1] =	ssyncadd.s32 $0xFFFFFE00  }
0x15: {  	v2 =	vld [tilespmem:s26+$0x0];
	_ =	sdelay $0x4  }
0x16: {  	v3 =	vmul.u32 $0x3F1, v2;
	_ =	sdelay $0x1  }
0x17: {  	v4 =	vadd.s32 $0x1B1, v3  }
0x18: {  	(v2sf) =	vpush v4, $0xF  }
0x19: {  	(v2sf) =	vpush v4, $0xB;
	_ =	sdelay $0x1  }
0x1a: {  	(v2sf) =	vpush v4, $0x6;
	_ =	sdelay $0x1  }
0x1b: {  	(v2sf) =	vpush v4, $0xE;
	_ =	sdelay $0x1  }
0x1c: {  	(v2sf) =	vpush v4, $0xA  }
0x1d: {  	(v2sf) =	vpush v4, $0xD  }
0x1e: {  	(v2sf) =	vpush v4, $0x9  }
0x1f: {  	(v2sf) =	vpush v4, $0x5;
	_ =	sdelay $0x1  }
0x20: {  	(v2sf) =	vpush v4, $0xC;
	_ =	sdelay $0x2  }
0x21: {  	(v2sf) =	vpush v4, $0x8;
	s28 =	spop (v2sf)  }
0x22: {  	s8 =	smulhi.u32 $0x14F8B589, s28;
	s10 =	spop (v2sf)  }
0x23: {  	(v2sf) =	vpush v4, $0x4;
	s2 =	sshra.s32 s28, $0x1F;
	s26 =	smulhi.u32 $0x14F8B589, s10  }
0x24: {  	s12 =	spop (v2sf);
	s24 =	smul.u32 $0x14F8B589, s2  }
0x25: {  	(v2sf) =	vpush v4, $0x3;
	s11 =	sshra.s32 s10, $0x1F;
	s0 =	smulhi.u32 $0x14F8B589, s12  }
0x26: {  	s13 =	spop (v2sf);
	s10 =	smul.u32 $0x14F8B589, s11  }
0x27: {  	s12 =	sshra.s32 s12, $0x1F;
	s9 =	smulhi.u32 $0x14F8B589, s13  }
0x28: {  	s14 =	spop (v2sf);
	s2 =	smul.u32 $0x14F8B589, s12  }
0x29: {  	s13 =	sshra.s32 s13, $0x1F;
	s6 =	smulhi.u32 $0x14F8B589, s14;
	s15 =	spop (v2sf)  }
0x2a: {  	s12 =	smul.u32 $0x14F8B589, s13;
	s17 =	spop (v2sf);
	(v2sf) =	vpush v4, $0x2  }
0x2b: {  	s14 =	sshra.s32 s14, $0x1F;
	s16 =	smulhi.u32 $0x14F8B589, s15;
	s18 =	spop (v2sf);
	(v2sf) =	vpush v4, $0x1  }
0x2c: {  	s13 =	smul.u32 $0x14F8B589, s14  }
0x2d: {  	s15 =	sshra.s32 s15, $0x1F;
	s3 =	smulhi.u32 $0x14F8B589, s17;
	s19 =	spop (v2sf);
	(v2sf) =	vpush v4, $0x0  }
0x2e: {  	s14 =	smul.u32 $0x14F8B589, s15  }
0x2f: {  	v2 =	vmul.u32 $0x1F, v2;
	s17 =	sshra.s32 s17, $0x1F;
	s4 =	smulhi.u32 $0x14F8B589, s18  }
0x30: {  	s15 =	smul.u32 $0x14F8B589, s17;
	s21 =	spop (v2sf);
	(v2sf) =	vpush v4, $0x7  }
0x31: {  	v2 =	vadd.s32 $0x7, v2;
	s18 =	sshra.s32 s18, $0x1F;
	s20 =	smulhi.u32 $0x14F8B589, s19  }
0x32: {  	s17 =	smul.u32 $0x14F8B589, s18;
	s22 =	spop (v2sf);
	(v2sf) =	vpush v2, $0x7  }
0x33: {  	s19 =	sshra.s32 s19, $0x1F;
	s7 =	smulhi.u32 $0x14F8B589, s21  }
0x34: {  	s18 =	smul.u32 $0x14F8B589, s19;
	s23 =	spop (v2sf);
	(v2sf) =	vpush v2, $0x0  }
0x35: {  	s21 =	sshra.s32 s21, $0x1F;
	s5 =	smulhi.u32 $0x14F8B589, s22  }
0x36: {  	s11 =	sadd.s32 s24, s8;
	s19 =	smul.u32 $0x14F8B589, s21;
	(v2sf) =	vpush v2, $0x1  }
0x37: {  	s10 =	sadd.s32 s10, s26;
	s25 =	sshra.s32 s22, $0x1F;
	s1 =	smulhi.u32 $0x14F8B589, s23  }
0x38: {  	[smem:$0x7F5] =	sst s10;
	s21 =	smul.u32 $0x14F8B589, s25;
	s23 =	sshra.s32 s23, $0x1F;
	(v2sf) =	vpush v2, $0x2  }
0x39: {  	s12 =	sadd.s32 s12, s9;
	s23 =	smul.u32 $0x14F8B589, s23;
	s28 =	spop (v2sf)  }
0x3a: {  	s10 =	sadd.s32 s13, s6;
	(v2sf) =	vpush v2, $0x3;
	s25 =	smulhi.u32 $0x14F8B589, s28;
	s24 =	spop (v2sf)  }
0x3b: {  	s31 =	sshrl.u32 s12, $0x1F;
	s26 =	sshra.s32 s28, $0x1F;
	s22 =	smulhi.u32 $0x14F8B589, s24  }
0x3c: {  	s14 =	sadd.s32 s14, s16;
	(v2sf) =	vpush v2, $0x4;
	s16 =	smul.u32 $0x14F8B589, s26;
	s28 =	spop (v2sf)  }
0x3d: {  	s15 =	sadd.s32 s15, s3;
	s8 =	sshra.s32 s24, $0x1F;
	s24 =	smulhi.u32 $0x14F8B589, s28  }
0x3e: {  	s6 =	sadd.s32 s17, s4;
	s28 =	sshra.s32 s28, $0x1F;
	s13 =	smul.u32 $0x14F8B589, s8  }
0x3f: {  	s18 =	sadd.s32 s18, s20;
	s8 =	spop (v2sf);
	s20 =	smul.u32 $0x14F8B589, s28  }
0x40: {  	s30 =	sshra.s32 s15, $0xD;
	s26 =	smulhi.u32 $0x14F8B589, s8;
	s28 =	sshra.s32 s8, $0x1F  }
0x41: {  	s19 =	sadd.s32 s19, s7;
	s8 =	spop (v2sf);
	s3 =	smul.u32 $0x14F8B589, s28  }
0x42: {  	s9 =	sadd.s32 s21, s5;
	s28 =	sshra.s32 s8, $0x1F;
	s7 =	smulhi.u32 $0x14F8B589, s8  }
0x43: {  	s23 =	sadd.s32 s23, s1;
	s17 =	spop (v2sf);
	s4 =	smul.u32 $0x14F8B589, s28  }
0x44: {  	s16 =	sadd.s32 s16, s25;
	s8 =	sshra.s32 s17, $0x1F;
	s17 =	smulhi.u32 $0x14F8B589, s17  }
0x45: {  	s22 =	sadd.s32 s13, s22;
	s28 =	spop (v2sf);
	s21 =	smul.u32 $0x14F8B589, s8  }
0x46: {  	s5 =	sadd.s32 s3, s26;
	s26 =	sshra.s32 s28, $0x1F;
	s25 =	smulhi.u32 $0x14F8B589, s28  }
0x47: {  	s20 =	sadd.s32 s20, s24;
	s8 =	spop (v2sf);
	s24 =	smul.u32 $0x14F8B589, s26  }
0x48: {  	s13 =	sadd.s32 s2, s0;
	s28 =	sshra.s32 s8, $0x1F;
	s1 =	smulhi.u32 $0x14F8B589, s8  }
0x49: {  	s3 =	sadd.s32 s4, s7;
	s26 =	smul.u32 $0x14F8B589, s28;
	s28 =	spop (v2sf)  }
0x4a: {  	s7 =	sadd.s32 s21, s17;
	s17 =	sshra.s32 s20, $0x1F;
	s8 =	sshra.s32 s28, $0x1F  }
0x4b: {  	(v2sf) =	vpush v2, $0xC;
	s29 =	spop (v2sf);
	s28 =	smulhi.u32 $0x14F8B589, s28;
	s21 =	sadd.s32 s24, s25  }
0x4c: {  	(v2sf) =	vpush v2, $0x8;
	s25 =	sshra.s32 s20, $0xD;
	s20 =	sshrl.u32 s20, $0x1F;
	s0 =	smul.u32 $0x14F8B589, s8  }
0x4d: {  	(v2sf) =	vpush v2, $0xD;
	s8 =	sshra.s32 s29, $0x1F;
	[smem:$0x7F8] =	sst s21;
	s1 =	sadd.s32 s26, s1  }
0x4e: {  	s21 =	sshrl.u32 s18, $0x1F;
	s2 =	smulhi.u32 $0x14F8B589, s29;
	s18 =	sshra.s32 s18, $0xD  }
0x4f: {  	(v2sf) =	vpush v2, $0x9;
	s26 =	sshrl.u32 s14, $0x1F;
	s29 =	sshrl.u32 s15, $0x1F;
	s15 =	sshra.s32 s5, $0x1F  }
0x50: {  	(v2sf) =	vpush v2, $0x5;
	v8 =	vmov s20;
	s20 =	sshra.s32 s9, $0xD;
	s24 =	smul.u32 $0x14F8B589, s8;
	[smem:$0x7F9] =	sst s1  }
0x51: {  	(v2sf) =	vpush v2, $0xE;
	s8 =	sshrl.u32 s22, $0x1F;
	s1 =	sshrl.u32 s10, $0x1F;
	s0 =	sadd.s32 s0, s28  }
0x52: {  	v3 =	vmov s15;
	s28 =	sshra.s32 s14, $0xD;
	s14 =	sshra.s32 s22, $0x1F;
	[smem:$0x7F6] =	sst s8  }
0x53: {  	(v2sf) =	vpush v2, $0xA;
	v5 =	vmov s21;
	s8 =	sshrl.u32 s11, $0x1F;
	v3 =	vsel vm3, s25, v3;
	s25 =	sshra.s32 s11, $0xD;
	s11 =	sshra.s32 s23, $0xD  }
0x54: {  	(v2sf) =	vpush v2, $0xF;
	v5 =	vsel vm0, s26, v5;
	s26 =	sshra.s32 s6, $0x1F;
	[smem:$0x7FA] =	sst s0;
	s4 =	sadd.s32 s24, s2  }
0x55: {  	s24 =	sshrl.u32 s19, $0x1F;
	s19 =	sshra.s32 s19, $0xD;
	s0 =	sshra.s32 s16, $0xD  }
0x56: {  	(v2sf) =	vpush v2, $0xB;
	v7 =	vmov s18;
	s2 =	sshra.s32 s23, $0x1F;
	v3 =	vsel vm8, s17, v3;
	s17 =	sshrl.u32 s23, $0x1F;
	s23 =	sshrl.u32 s9, $0x1F  }
0x57: {  	(v2sf) =	vpush v2, $0x6;
	v7 =	vsel vm0, s28, v7;
	v5 =	vsel vm1, s31, v5;
	s28 =	sshrl.u32 s6, $0x1F;
	s31 =	simm.s32 $0x10;
	[smem:$0x7FB] =	sst s4  }
0x58: {  	s4 =	sshra.s32 s12, $0xD;
	s12 =	sshra.s32 s22, $0xD;
	s22 =	sshra.s32 s10, $0xD  }
0x59: {  	s10 =	sshra.s32 s16, $0x1F;
	s16 =	sshrl.u32 s16, $0x1F;
	v6 =	vmov s24;
	s24 =	sld [smem:$0x7F5]  }
0x5a: {  	s15 =	spop (v2sf);
	v9 =	vmov s19;
	s19 =	sshra.s32 s9, $0x1F;
	[smem:$0x7F7] =	sst s16  }
0x5b: {  	v3 =	vsel vm0, s12, v3;
	s16 =	spop (v2sf);
	v6 =	vsel vm0, s29, v6;
	s29 =	sshra.s32 s13, $0xD;
	v7 =	vsel vm1, s4, v7;
	s4 =	sshra.s32 s13, $0x1F  }
0x5c: {  	v9 =	vsel vm0, s30, v9;
	v3 =	vsel vm11, s14, v3;
	s14 =	spop (v2sf);
	v6 =	vsel vm1, s1, v6;
	s1 =	sshrl.u32 s13, $0x1F;
	s13 =	sld [smem:$0x7F6]  }
0x5d: {  	v5 =	vsel vm2, s8, v5;
	v9 =	vsel vm1, s22, v9;
	s22 =	sshra.s32 s5, $0xD;
	s8 =	sld [smem:$0x7F7];
	v7 =	vsel vm2, s25, v7;
	s25 =	sshra.s32 s7, $0x1F  }
0x5e: {  	s21 =	sshrl.u32 s24, $0x1F;
	s18 =	sshra.s32 s24, $0xD;
	v3 =	vsel vm1, s0, v3;
	s12 =	spop (v2sf)  }
0x5f: {  	s24 =	sshra.s32 s6, $0xD;
	v3 =	vsel vm9, s10, v3;
	s10 =	spop (v2sf);
	v6 =	vsel vm2, s21, v6;
	s21 =	sshra.s32 s15, $0x1F  }
0x60: {  	v8 =	vnsel vm3, $0x0, v8;
	v9 =	vsel vm2, s18, v9;
	s18 =	sshra.s32 s14, $0x1F;
	s14 =	smulhi.u32 $0x14F8B589, s14;
	s0 =	spop (v2sf);
	v3 =	vsel vm2, s11, v3  }
0x61: {  	v8 =	vsel vm0, s13, v8;
	s13 =	sshrl.u32 s5, $0x1F;
	s11 =	sshra.s32 s16, $0x1F;
	s18 =	smul.u32 $0x14F8B589, s18;
	v3 =	vsel vm12, s2, v3  }
0x62: {  	s9 =	spop (v2sf);
	v8 =	vsel vm1, s8, v8;
	s2 =	smul.u32 $0x14F8B589, s21;
	s21 =	sshra.s32 s7, $0xD;
	v3 =	vsel vm4, s20, v3  }
0x63: {  	s8 =	smul.u32 $0x14F8B589, s11;
	s5 =	spop (v2sf);
	v8 =	vsel vm2, s17, v8;
	s20 =	sshra.s32 s3, $0x1F;
	v3 =	vsel vm13, s19, v3  }
0x64: {  	v10 =	vld [tilespmem:s31+$0x0];
	s17 =	sshrl.u32 s7, $0x1F;
	v8 =	vsel vm4, s23, v8;
	v11 =	vmov s20;
	s23 =	sld [smem:$0x7F8];
	v3 =	vsel vm5, s24, v3;
	s24 =	smulhi.u32 $0x14F8B589, s15  }
0x65: {  	s6 =	spop (v2sf);
	v8 =	vsel vm5, s28, v8;
	v11 =	vsel vm3, s21, v11;
	s28 =	sshra.s32 s12, $0x1F;
	s12 =	smulhi.u32 $0x14F8B589, s12  }
0x66: {  	s7 =	spop (v2sf);
	v3 =	vsel vm14, s26, v3;
	v8 =	vsel vm6, s1, v8;
	v11 =	vsel vm8, s25, v11;
	s25 =	sld [smem:$0x7F9];
	s1 =	sadd.s32 s2, s24  }
0x67: {  	v3 =	vsel vm6, s29, v3;
	s2 =	sadd.s32 s18, s14;
	s14 =	sshra.s32 s7, $0x1F;
	s7 =	smulhi.u32 $0x14F8B589, s7  }
0x68: {  	s11 =	sshra.s32 s23, $0xD;
	v12 =	vsel vm15, s4, v3;
	s4 =	smulhi.u32 $0x14F8B589, s16  }
0x69: {  	s21 =	sshra.s32 s23, $0x1F;
	v3 =	vsel vm0, s11, v11;
	v11 =	vmul.u32 $0x3F1, v10;
	s16 =	smul.u32 $0x14F8B589, s28  }
0x6a: {  	v5 =	vcombine.low v6, v5;
	s11 =	sshra.s32 s10, $0x1F;
	s10 =	smulhi.u32 $0x14F8B589, s10;
	s26 =	sshra.s32 s25, $0xD;
	v3 =	vsel vm11, s21, v3  }
0x6b: {  	v6 =	vcombine.low v9, v7;
	s28 =	sshra.s32 s9, $0x1F;
	s9 =	smulhi.u32 $0x14F8B589, s9;
	v7 =	vsel vm1, s26, v3;
	v3 =	vadd.s32 $0x1B1, v11  }
0x6c: {  	s14 =	smul.u32 $0x14F8B589, s14;
	(v2sf) =	vpush v3, $0xF  }
0x6d: {  	v5 =	vperm.xlane v5, v0;
	v8 =	vsel vm7, s13, v8;
	s24 =	sld [smem:$0x7FA];
	s20 =	smul.u32 $0x14F8B589, s11;
	(v2sf) =	vpush v3, $0xB  }
0x6e: {  	v6 =	vperm.xlane v6, v0;
	v8 =	vperm.xlane v8, v1;
	s19 =	sshra.s32 s25, $0x1F;
	s21 =	sshrl.u32 s23, $0x1F;
	s28 =	smul.u32 $0x14F8B589, s28;
	(v2sf) =	vpush v3, $0x6  }
0x6f: {  	v10 =	vmul.u32 $0x1F, v10;
	v9 =	vsel vm7, s22, v12;
	s11 =	sld [smem:$0x7FB];
	s22 =	sshra.s32 s5, $0x1F;
	s5 =	smulhi.u32 $0x14F8B589, s5;
	(v2sf) =	vpush v3, $0xE  }
0x70: {  	s23 =	sshra.s32 s6, $0x1F;
	s6 =	smulhi.u32 $0x14F8B589, s6;
	s13 =	sshra.s32 s24, $0xD;
	v9 =	vperm.xlane v9, v1;
	v11 =	vmov s17;
	v5 =	vsel vm10, v8, v5  }
0x71: {  	s15 =	sshra.s32 s24, $0x1F;
	s26 =	sshra.s32 s0, $0x1F;
	s4 =	sadd.s32 s8, s4;
	v7 =	vsel vm9, s19, v7;
	v8 =	vnsel vm3, $0x0, v11;
	(v2sf) =	vpush v3, $0xA  }
0x72: {  	s12 =	sadd.s32 s16, s12;
	s0 =	smulhi.u32 $0x14F8B589, s0;
	s18 =	sshrl.u32 s4, $0x1F;
	v7 =	vsel vm2, s13, v7;
	v6 =	vsel vm10, v9, v6;
	(v2sf) =	vpush v3, $0xD  }
0x73: {  	s17 =	smul.u32 $0x14F8B589, s26;
	s26 =	sshrl.u32 s25, $0x1F;
	s4 =	sshra.s32 s4, $0xD;
	v8 =	vsel vm0, s21, v8;
	v9 =	vmov s18;
	(v2sf) =	vpush v3, $0x9  }
0x74: {  	s19 =	sshrl.u32 s2, $0x1F;
	s13 =	sshrl.u32 s1, $0x1F;
	s1 =	sshra.s32 s1, $0xD;
	v7 =	vsel vm12, s15, v7;
	v5 =	vadd.s32 v5, v6;
	(v2sf) =	vpush v3, $0x5  }
0x75: {  	s25 =	sshra.s32 s2, $0xD;
	s21 =	smul.u32 $0x14F8B589, s22;
	s22 =	sshrl.u32 s12, $0x1F;
	v8 =	vsel vm1, s26, v8;
	v11 =	vmov s1;
	(v2sf) =	vpush v3, $0xC  }
0x76: {  	s9 =	sadd.s32 s28, s9;
	s8 =	sshra.s32 s11, $0xD;
	s12 =	sshra.s32 s12, $0xD;
	v9 =	vsel vm0, s22, v9;
	v5 =	vmul.u32 $0x186A0, v5;
	(v2sf) =	vpush v3, $0x8  }
0x77: {  	s18 =	sshrl.u32 s9, $0x1F;
	s0 =	sadd.s32 s17, s0;
	s17 =	sshrl.u32 s24, $0x1F;
	v6 =	vsel vm4, s8, v7;
	v7 =	vmov s13;
	(v2sf) =	vpush v3, $0x4  }
0x78: {  	s24 =	smul.u32 $0x14F8B589, s23;
	s23 =	sshrl.u32 s11, $0x1F;
	s1 =	sadd.s32 s14, s7;
	v7 =	vsel vm0, s19, v7;
	v4 =	vsub.s32 v4, v5;
	(v2sf) =	vpush v3, $0x3  }
0x79: {  	s8 =	sadd.s32 s20, s10;
	s10 =	sshra.s32 s11, $0x1F;
	s26 =	sshrl.u32 s0, $0x1F;
	vm8 =	vlt.s32 v4, $0x0;
	v5 =	vadd.s32 $0x186A0, v4;
	(v2sf) =	vpush v3, $0x2  }
0x7a: {  	s28 =	sadd.s32 s21, s5;
	s15 =	sshra.s32 s0, $0xD;
	s19 =	sadd.s32 s24, s6;
	v63 =	vsel vm8, v5, v4;
	v4 =	vadd.s32 $0x7, v10;
	(v2sf) =	vpush v3, $0x1  }
0x7b: {  	s2 =	sshrl.u32 s28, $0x1F;
	s6 =	sshrl.u32 s19, $0x1F;
	v5 =	vsel vm1, s26, v7;
	v7 =	vsel vm1, s18, v9;
	(v2sf) =	vpush v3, $0x0;
	s0 =	spop (v2sf)  }
0x7c: {  	s21 =	sshra.s32 s9, $0xD;
	v5 =	vsel vm2, s2, v5;
	v7 =	vsel vm2, s6, v7;
	(v2sf) =	vpush v3, $0x7;
	s11 =	smulhi.u32 $0x14F8B589, s0;
	s2 =	spop (v2sf)  }
0x7d: {  	s20 =	sshra.s32 s8, $0xD;
	v5 =	vcombine.low v7, v5;
	v7 =	vmov s4;
	(v2sf) =	vpush v4, $0x7;
	s29 =	smulhi.u32 $0x14F8B589, s2;
	s4 =	spop (v2sf)  }
0x7e: {  	s22 =	sshra.s32 s8, $0x1F;
	v6 =	vsel vm13, s10, v6;
	v9 =	vsel vm0, s25, v11;
	(v2sf) =	vpush v4, $0x0;
	s25 =	smulhi.u32 $0x14F8B589, s4;
	s5 =	spop (v2sf)  }
0x7f: {  	v8 =	vsel vm2, s17, v8;
	s8 =	sshrl.u32 s8, $0x1F;
	s24 =	sshrl.u32 s3, $0x1F;
	v6 =	vsel vm5, s20, v6;
	(v2sf) =	vpush v4, $0x1;
	s13 =	smulhi.u32 $0x14F8B589, s5  }
0x80: {  	v10 =	vsel vm4, s23, v8;
	s18 =	simm.s32 $0x0;
	v8 =	vsel vm14, s22, v6;
	(v2sf) =	vpush v4, $0x2;
	s6 =	spop (v2sf);
	[dreg:$0x5] =	wrdreg s25  }
0x81: {  	s26 =	sshra.s32 s28, $0xD;
	v11 =	vsel vm1, s15, v9;
	v7 =	vsel vm0, s12, v7;
	s30 =	smulhi.u32 $0x14F8B589, s6;
	(v2sf) =	vpush v4, $0x3;
	s23 =	spop (v2sf)  }
0x82: {  	s28 =	sshra.s32 s19, $0xD;
	v9 =	vsel vm5, s8, v10;
	v7 =	vsel vm1, s21, v7;
	s8 =	smulhi.u32 $0x14F8B589, s23;
	(v2sf) =	vpush v4, $0x4;
	s25 =	spop (v2sf)  }
0x83: {  	s10 =	simm.s32 $0x80;
	[tilespmem:s18+$0x300] =	vst v63;
	v6 =	vsel vm2, s26, v11;
	v7 =	vsel vm2, s28, v7;
	s19 =	smulhi.u32 $0x14F8B589, s25;
	(v2sf) =	vpush v4, $0xC;
	s26 =	spop (v2sf)  }
.LBB2_2:
0x84: {  	[dreg:$0x4] =	wrdreg s10  }
0x85: {  	[dreg:$0x1a] =	wrdreg s19  }
0x86: {  	s7 =	smulhi.u32 $0x14F8B589, s26;
	[dreg:$0x15] =	wrdreg s29  }
0x87: {  	s28 =	spop (v2sf);
	[dreg:$0x14] =	wrdreg s13  }
0x88: {  	[dreg:$0x12] =	wrdreg s30;
	s21 =	smulhi.u32 $0x14F8B589, s28  }
0x89: {  	s30 =	spop (v2sf);
	[dreg:$0xf] =	wrdreg s7  }
0x8a: {  	s22 =	smulhi.u32 $0x14F8B589, s30;
	s29 =	spop (v2sf)  }
0x8b: {  	p0 =	sne.s32 s10, $0x3C0;
	[dreg:$0x10] =	wrdreg s21;
	s14 =	smulhi.u32 $0x14F8B589, s29  }
0x8c: {  	s12 =	spop (v2sf);
	s21 =	smov.u32 s31;
	[dreg:$0x11] =	wrdreg s22  }
0x8d: {  	s9 =	sshra.s32 s1, $0xD;
	s16 =	smulhi.u32 $0x14F8B589, s12;
	[dreg:$0x6] =	wrdreg s21  }
0x8e: {  	(v2sf) =	vpush v4, $0x8;
	s15 =	sshra.s32 s1, $0x1F;
	s13 =	spop (v2sf);
	[dreg:$0x13] =	wrdreg s14  }
0x8f: {  	v6 =	vcombine.low v7, v6;
	s17 =	sshra.s32 s3, $0xD;
	(v2sf) =	vpush v4, $0xD;
	v7 =	vsel vm6, s9, v8;
	s19 =	smulhi.u32 $0x14F8B589, s13;
	s9 =	spop (v2sf)  }
0x90: {  	(v2sf) =	vpush v4, $0x9;
	v7 =	vsel vm15, s15, v7;
	s15 =	sshra.s32 s4, $0x1F;
	[dreg:$0xe] =	wrdreg s16;
	s20 =	smulhi.u32 $0x14F8B589, s9  }
0x91: {  	(v2sf) =	vpush v4, $0x5;
	s21 =	sshra.s32 s23, $0x1F;
	s3 =	spop (v2sf);
	s16 =	smul.u32 $0x14F8B589, s15  }
0x92: {  	s10 =	sshrl.u32 s1, $0x1F;
	(v2sf) =	vpush v4, $0xE;
	s15 =	smul.u32 $0x14F8B589, s21;
	[dreg:$0x16] =	wrdreg s19  }
0x93: {  	v8 =	vsel vm6, s10, v9;
	(v2sf) =	vpush v4, $0xA;
	s22 =	smulhi.u32 $0x14F8B589, s3;
	s19 =	spop (v2sf)  }
0x94: {  	v8 =	vsel vm7, s24, v8;
	v7 =	vsel vm7, s17, v7;
	s17 =	sshra.s32 s0, $0x1F;
	(v2sf) =	vpush v4, $0xF;
	[dreg:$0x17] =	wrdreg s20;
	s24 =	smulhi.u32 $0x14F8B589, s19  }
0x95: {  	s7 =	sshra.s32 s2, $0x1F;
	s1 =	spop (v2sf);
	s20 =	smul.u32 $0x14F8B589, s17  }
0x96: {  	s28 =	sshra.s32 s28, $0x1F;
	(v2sf) =	vpush v4, $0xB;
	s17 =	smul.u32 $0x14F8B589, s7;
	[dreg:$0xd] =	wrdreg s16  }
0x97: {  	s31 =	sshra.s32 s5, $0x1F;
	s7 =	smul.u32 $0x14F8B589, s28;
	s10 =	spop (v2sf)  }
0x98: {  	v5 =	vperm.xlane v5, v0;
	v6 =	vperm.xlane v6, v0;
	(v2sf) =	vpush v4, $0x6;
	s15 =	sadd.s32 s15, s8;
	s8 =	rddreg [dreg:$0xf];
	s4 =	spop (v2sf)  }
0x99: {  	v8 =	vperm.xlane v8, v1;
	v7 =	vperm.xlane v7, v1;
	s14 =	smov.u32 s18;
	[dreg:$0x18] =	wrdreg s22;
	s5 =	spop (v2sf)  }
0x9a: {  	s18 =	sshra.s32 s6, $0x1F;
	[dreg:$0xc] =	wrdreg s1;
	s6 =	spop (v2sf)  }
0x9b: {  	s25 =	sshra.s32 s25, $0x1F;
	v5 =	vsel vm10, v8, v5;
	v6 =	vsel vm10, v7, v6;
	[dreg:$0x19] =	wrdreg s24;
	s23 =	spop (v2sf)  }
0x9c: {  	s2 =	smov.u32 s11;
	v5 =	vadd.s32 v5, v6;
	[dreg:$0xb] =	wrdreg s10;
	s11 =	spop (v2sf)  }
0x9d: {  	v5 =	vmul.u32 $0x186A0, v5;
	s10 =	smul.u32 $0x14F8B589, s25;
	s25 =	spop (v2sf)  }
0x9e: {  	vm8 =	vmmov vm15;
	vm15 =	vmmov vm14;
	s22 =	sshra.s32 s26, $0x1F;
	s24 =	smul.u32 $0x14F8B589, s18;
	s26 =	spop (v2sf)  }
0x9f: {  	vm14 =	vmmov vm13;
	vm13 =	vmmov vm12;
	s0 =	sshra.s32 s30, $0x1F;
	v5 =	vsub.s32 v2, v5;
	s16 =	smul.u32 $0x14F8B589, s22;
	s28 =	spop (v2sf)  }
0xa0: {  	vm12 =	vmmov vm9;
	s1 =	sshra.s32 s29, $0x1F;
	v2 =	vmovc v4;
	s18 =	smul.u32 $0x14F8B589, s0;
	vm9 =	vlt.s32 v5, $0x0;
	v4 =	vadd.s32 $0x186A0, v5;
	s30 =	spop (v2sf)  }
0xa1: {  	s12 =	sshra.s32 s12, $0x1F;
	s22 =	smul.u32 $0x14F8B589, s1;
	v4 =	vsel vm9, v4, v5;
	s21 =	spop (v2sf)  }
0xa2: {  	s29 =	sshra.s32 s13, $0x1F;
	[tilespmem:s14+$0x200] =	vst v4;
	s14 =	smul.u32 $0x14F8B589, s12;
	s13 =	spop (v2sf)  }
0xa3: {  	s9 =	sshra.s32 s9, $0x1F;
	[dreg:$0xa] =	wrdreg s21;
	s1 =	spop (v2sf)  }
0xa4: {  	[dreg:$0x9] =	wrdreg s1;
	s1 =	smul.u32 $0x14F8B589, s9  }
0xa5: {  	s3 =	sshra.s32 s3, $0x1F;
	s12 =	spop (v2sf);
	s9 =	rddreg [dreg:$0x15]  }
0xa6: {  	s0 =	smul.u32 $0x14F8B589, s3;
	s3 =	sshra.s32 s19, $0x1F;
	[dreg:$0x8] =	wrdreg s12  }
0xa7: {  	s19 =	spop (v2sf);
	s12 =	sadd.s32 s20, s2;
	s20 =	rddreg [dreg:$0x12]  }
0xa8: {  	s31 =	smul.u32 $0x14F8B589, s31;
	[dreg:$0x7] =	wrdreg s19  }
0xa9: {  	s21 =	smul.u32 $0x14F8B589, s29;
	s19 =	rddreg [dreg:$0x14]  }
0xaa: {  	s29 =	sadd.s32 s17, s9;
	s9 =	sadd.s32 s24, s20;
	s24 =	rddreg [dreg:$0x10]  }
0xab: {  	s20 =	rddreg [dreg:$0x13]  }
0xac: {  	s17 =	sadd.s32 s31, s19;
	s19 =	sadd.s32 s7, s24;
	s7 =	rddreg [dreg:$0x1a]  }
0xad: {  	s3 =	smul.u32 $0x14F8B589, s3;
	s24 =	rddreg [dreg:$0x19]  }
0xae: {  	s10 =	sadd.s32 s10, s7;
	s7 =	sadd.s32 s16, s8;
	s16 =	rddreg [dreg:$0x11]  }
0xaf: {  	s8 =	sadd.s32 s22, s20;
	s3 =	sadd.s32 s3, s24;
	s20 =	rddreg [dreg:$0x16]  }
0xb0: {  	s22 =	sshrl.u32 s19, $0x1F;
	s24 =	rddreg [dreg:$0x17];
	s19 =	sshra.s32 s19, $0xD  }
0xb1: {  	s16 =	sadd.s32 s18, s16;
	s18 =	rddreg [dreg:$0x18];
	s1 =	sadd.s32 s1, s24  }
0xb2: {  	v5 =	vmov s22;
	v7 =	vmov s19;
	s22 =	sshrl.u32 s15, $0x1F;
	s15 =	sshra.s32 s15, $0xD;
	s19 =	sshrl.u32 s17, $0x1F  }
0xb3: {  	s18 =	sadd.s32 s0, s18;
	s0 =	sadd.s32 s21, s20;
	s21 =	sshra.s32 s3, $0x1F  }
0xb4: {  	s24 =	sshrl.u32 s16, $0x1F;
	s16 =	sshra.s32 s16, $0xD;
	s20 =	rddreg [dreg:$0xe]  }
0xb5: {  	v5 =	vsel vm0, s22, v5;
	s22 =	sshrl.u32 s9, $0x1F;
	s9 =	sshra.s32 s9, $0xD;
	s2 =	sshra.s32 s18, $0xD  }
0xb6: {  	v4 =	vmov s21;
	v6 =	vmov s24;
	s21 =	sshra.s32 s1, $0xD;
	s24 =	sshrl.u32 s10, $0x1F;
	s10 =	sshra.s32 s10, $0xD  }
0xb7: {  	vm9 =	vcmask $0x704;
	v9 =	vmov s16;
	s14 =	sadd.s32 s14, s20;
	v5 =	vsel vm1, s19, v5;
	s16 =	sshrl.u32 s12, $0x1F;
	s19 =	sshra.s32 s8, $0xD  }
0xb8: {  	v7 =	vsel vm0, s15, v7;
	s20 =	sshra.s32 s12, $0xD;
	s12 =	sshrl.u32 s8, $0x1F;
	v4 =	vsel vm3, s2, v4;
	s2 =	sshra.s32 s18, $0x1F;
	v6 =	vsel vm0, s24, v6  }
0xb9: {  	s18 =	sshrl.u32 s18, $0x1F;
	v9 =	vsel vm0, s10, v9;
	s24 =	sshra.s32 s17, $0xD;
	s15 =	sshra.s32 s14, $0x1F;
	v5 =	vsel vm2, s16, v5;
	v4 =	vsel vm9, s2, v4  }
0xba: {  	s17 =	sshrl.u32 s29, $0x1F;
	s10 =	sshra.s32 s7, $0xD;
	v8 =	vmov s18;
	s2 =	sshra.s32 s1, $0x1F;
	v6 =	vsel vm1, s22, v6;
	v4 =	vsel vm0, s21, v4  }
0xbb: {  	s16 =	sshra.s32 s7, $0x1F;
	s18 =	sshra.s32 s0, $0xD;
	s1 =	sshrl.u32 s1, $0x1F;
	v7 =	vsel vm1, s24, v7;
	v9 =	vsel vm1, s9, v9;
	v4 =	vsel vm11, s2, v4  }
0xbc: {  	s24 =	sshra.s32 s29, $0xD;
	s21 =	sshra.s32 s0, $0x1F;
	v8 =	vnsel vm3, $0x0, v8;
	v6 =	vsel vm2, s17, v6;
	s17 =	rddreg [dreg:$0xc];
	v4 =	vsel vm1, s18, v4  }
0xbd: {  	s0 =	sshrl.u32 s0, $0x1F;
	v9 =	vsel vm2, s24, v9;
	s2 =	sshra.s32 s14, $0xD;
	v8 =	vsel vm0, s1, v8;
	s24 =	sshra.s32 s17, $0x1F;
	v4 =	vsel vm12, s21, v4  }
0xbe: {  	s22 =	sshrl.u32 s14, $0x1F;
	s14 =	rddreg [dreg:$0x5];
	v8 =	vsel vm1, s0, v8;
	s9 =	smul.u32 $0x14F8B589, s24;
	v4 =	vsel vm2, s2, v4  }
0xbf: {  	s21 =	sshra.s32 s8, $0x1F;
	v8 =	vsel vm2, s22, v8;
	s22 =	sshra.s32 s4, $0x1F;
	v4 =	vsel vm13, s15, v4;
	s15 =	rddreg [dreg:$0xd]  }
0xc0: {  	s4 =	smulhi.u32 $0x14F8B589, s4;
	s2 =	sshrl.u32 s7, $0x1F;
	v4 =	vsel vm4, s19, v4;
	s8 =	sadd.s32 s15, s14  }
0xc1: {  	s15 =	rddreg [dreg:$0xb];
	v4 =	vsel vm14, s21, v4;
	s7 =	sshra.s32 s8, $0xD;
	s14 =	sshra.s32 s8, $0x1F  }
0xc2: {  	v7 =	vsel vm2, s20, v7;
	v4 =	vsel vm5, s10, v4;
	s10 =	sshrl.u32 s8, $0x1F;
	s8 =	sshra.s32 s23, $0x1F;
	s23 =	smulhi.u32 $0x14F8B589, s23  }
0xc3: {  	s20 =	sshrl.u32 s3, $0x1F;
	v5 =	vcombine.low v6, v5;
	v6 =	vsel vm4, s12, v8;
	s19 =	sshra.s32 s15, $0x1F;
	v4 =	vsel vm15, s16, v4;
	s16 =	smulhi.u32 $0x14F8B589, s17  }
0xc4: {  	v7 =	vcombine.low v9, v7;
	s18 =	rddreg [dreg:$0x6];
	s24 =	sshra.s32 s5, $0x1F;
	v6 =	vsel vm5, s2, v6;
	s17 =	smul.u32 $0x14F8B589, s19;
	v4 =	vsel vm6, s7, v4  }
0xc5: {  	v5 =	vperm.xlane v5, v0;
	s12 =	sshra.s32 s11, $0x1F;
	s21 =	sshra.s32 s3, $0xD;
	v6 =	vsel vm6, s10, v6;
	s10 =	smul.u32 $0x14F8B589, s24;
	v4 =	vsel vm8, s14, v4  }
0xc6: {  	v7 =	vperm.xlane v7, v0;
	s2 =	sshra.s32 s26, $0x1F;
	s19 =	sshra.s32 s6, $0x1F;
	s6 =	smulhi.u32 $0x14F8B589, s6;
	v6 =	vsel vm7, s20, v6;
	v4 =	vsel vm7, s21, v4  }
0xc7: {  	s24 =	rddreg [dreg:$0x4];
	s20 =	smulhi.u32 $0x14F8B589, s15;
	s7 =	sshra.s32 s25, $0x1F;
	v6 =	vperm.xlane v6, v1;
	v4 =	vperm.xlane v4, v1  }
0xc8: {  	s31 =	sshra.s32 s24, $0x2;
	s1 =	smul.u32 $0x14F8B589, s19;
	s3 =	sadd.s32 s9, s16  }
0xc9: {  	s9 =	smul.u32 $0x14F8B589, s22;
	s21 =	sshra.s32 s3, $0x1F;
	s0 =	sadd.s32 s17, s20;
	v5 =	vsel vm10, v6, v5;
	v4 =	vsel vm10, v4, v7  }
0xca: {  	s24 =	smul.u32 $0x14F8B589, s12;
	s12 =	sshra.s32 s13, $0x1F;
	v6 =	vmov s21;
	s14 =	sshra.s32 s0, $0xD;
	v4 =	vadd.s32 v5, v4  }
0xcb: {  	s17 =	smulhi.u32 $0x14F8B589, s5;
	s22 =	sshra.s32 s0, $0x1F;
	s9 =	sadd.s32 s9, s4;
	v5 =	vsel vm3, s14, v6;
	v6 =	vld [tilespmem:s31+$0x0];
	v4 =	vmul.u32 $0x186A0, v4  }
0xcc: {  	s7 =	smul.u32 $0x14F8B589, s7;
	s0 =	sshrl.u32 s0, $0x1F;
	s19 =	sshra.s32 s9, $0xD;
	v5 =	vsel vm9, s22, v5  }
0xcd: {  	s21 =	smul.u32 $0x14F8B589, s8;
	s20 =	sshra.s32 s9, $0x1F;
	s4 =	sadd.s32 s10, s17;
	v7 =	vmov s0;
	v3 =	vsub.s32 v3, v4;
	v4 =	vsel vm0, s19, v5  }
0xce: {  	s8 =	sshra.s32 s30, $0x1F;
	s17 =	smulhi.u32 $0x14F8B589, s11;
	s22 =	sshra.s32 s4, $0xD;
	vm9 =	vlt.s32 v3, $0x0;
	v5 =	vadd.s32 $0x186A0, v3;
	v4 =	vsel vm11, s20, v4  }
0xcf: {  	s9 =	sshrl.u32 s9, $0x1F;
	s10 =	sshra.s32 s4, $0x1F;
	s0 =	sadd.s32 s1, s6;
	v3 =	vsel vm9, v5, v3;
	vm9 =	vmmov vm12;
	v4 =	vsel vm1, s22, v4  }
0xd0: {  	s8 =	smul.u32 $0x14F8B589, s8;
	s15 =	sshra.s32 s0, $0xD;
	[tilespmem:s18+$0x300] =	vst v3;
	v3 =	vsel vm9, s10, v4;
	v4 =	vmul.u32 $0x1F, v6;
	v6 =	vmul.u32 $0x3F1, v6  }
0xd1: {  	s1 =	sadd.s32 s21, s23;
	s23 =	smul.u32 $0x14F8B589, s2;
	s16 =	sshra.s32 s0, $0x1F;
	vm12 =	vmmov vm13;
	v3 =	vsel vm2, s15, v3  }
0xd2: {  	s21 =	rddreg [dreg:$0x9];
	s14 =	sshra.s32 s28, $0x1F;
	s28 =	smulhi.u32 $0x14F8B589, s28;
	v5 =	vnsel vm3, $0x0, v7;
	v7 =	vsel vm12, s16, v3;
	v3 =	vadd.s32 $0x1B1, v6  }
0xd3: {  	s6 =	sadd.s32 s24, s17;
	s0 =	sshrl.u32 s0, $0x1F;
	s19 =	smulhi.u32 $0x14F8B589, s25;
	(v2sf) =	vpush v3, $0xF  }
0xd4: {  	s17 =	smul.u32 $0x14F8B589, s14;
	s24 =	sshrl.u32 s6, $0x1F;
	s4 =	sshrl.u32 s4, $0x1F;
	(v2sf) =	vpush v3, $0xB  }
0xd5: {  	s25 =	smulhi.u32 $0x14F8B589, s26;
	s22 =	rddreg [dreg:$0xa];
	s5 =	sadd.s32 s7, s19;
	(v2sf) =	vpush v3, $0x6  }
0xd6: {  	s11 =	sshra.s32 s22, $0x1F;
	v5 =	vsel vm0, s9, v5;
	s9 =	sadd.s32 s17, s28;
	s28 =	smulhi.u32 $0x14F8B589, s22;
	(v2sf) =	vpush v3, $0xE  }
0xd7: {  	s14 =	sshra.s32 s6, $0xD;
	s26 =	sshrl.u32 s5, $0x1F;
	s11 =	smul.u32 $0x14F8B589, s11  }
0xd8: {  	s19 =	rddreg [dreg:$0x7];
	s10 =	sshra.s32 s21, $0x1F;
	v8 =	vmov s26;
	s26 =	smul.u32 $0x14F8B589, s12  }
0xd9: {  	s20 =	sshra.s32 s1, $0xD;
	s2 =	sshra.s32 s19, $0x1F;
	s10 =	smul.u32 $0x14F8B589, s10;
	(v2sf) =	vpush v3, $0xA  }
0xda: {  	s5 =	sshra.s32 s5, $0xD;
	s15 =	sadd.s32 s23, s25;
	s12 =	smulhi.u32 $0x14F8B589, s21;
	(v2sf) =	vpush v3, $0xD  }
0xdb: {  	s23 =	sshra.s32 s1, $0x1F;
	s25 =	sshrl.u32 s9, $0x1F;
	s21 =	smulhi.u32 $0x14F8B589, s19;
	(v2sf) =	vpush v3, $0x9  }
0xdc: {  	v9 =	vmov s14;
	s1 =	sshrl.u32 s1, $0x1F;
	s16 =	smulhi.u32 $0x14F8B589, s30;
	s14 =	sshra.s32 s15, $0xD;
	(v2sf) =	vpush v3, $0x5  }
0xdd: {  	v6 =	vsel vm4, s20, v7;
	s20 =	rddreg [dreg:$0x8];
	v7 =	vmov s24;
	s24 =	sshrl.u32 s15, $0x1F;
	s15 =	smulhi.u32 $0x14F8B589, s13;
	(v2sf) =	vpush v3, $0xC  }
0xde: {  	vm13 =	vmmov vm14;
	s22 =	sadd.s32 s11, s28;
	s28 =	smul.u32 $0x14F8B589, s2;
	s7 =	sshra.s32 s20, $0x1F;
	(v2sf) =	vpush v3, $0x8  }
0xdf: {  	v5 =	vsel vm1, s4, v5;
	v6 =	vsel vm13, s23, v6;
	s8 =	sadd.s32 s8, s16;
	s16 =	sshra.s32 s9, $0xD;
	s23 =	sshrl.u32 s22, $0x1F;
	(v2sf) =	vpush v3, $0x4  }
0xe0: {  	v10 =	vmov s5;
	v8 =	vsel vm0, s25, v8;
	s11 =	sshra.s32 s22, $0xD;
	s17 =	sshra.s32 s8, $0xD;
	s25 =	smul.u32 $0x14F8B589, s7;
	(v2sf) =	vpush v3, $0x3  }
0xe1: {  	v9 =	vsel vm0, s14, v9;
	v7 =	vsel vm0, s24, v7;
	s24 =	sadd.s32 s26, s15;
	s14 =	sshra.s32 s8, $0x1F;
	s15 =	smulhi.u32 $0x14F8B589, s20;
	(v2sf) =	vpush v3, $0x2  }
0xe2: {  	v5 =	vsel vm2, s0, v5;
	v10 =	vsel vm0, s16, v10;
	s16 =	sshrl.u32 s8, $0x1F;
	s20 =	rddreg [dreg:$0x4];
	(v2sf) =	vpush v3, $0x1;
	s0 =	spop (v2sf)  }
0xe3: {  	v5 =	vsel vm4, s1, v5;
	v12 =	vsel vm1, s11, v9;
	s1 =	sadd.s32 s28, s21;
	(v2sf) =	vpush v3, $0x0;
	s11 =	smulhi.u32 $0x14F8B589, s0;
	s2 =	spop (v2sf)  }
0xe4: {  	v4 =	vadd.s32 $0x7, v4;
	s26 =	sshrl.u32 s24, $0x1F;
	(v2sf) =	vpush v3, $0x7;
	s29 =	smulhi.u32 $0x14F8B589, s2;
	s4 =	spop (v2sf)  }
0xe5: {  	v7 =	vsel vm1, s23, v7;
	s13 =	sshra.s32 s24, $0xD;
	(v2sf) =	vpush v4, $0x7;
	s23 =	smulhi.u32 $0x14F8B589, s4;
	s5 =	spop (v2sf)  }
0xe6: {  	v6 =	vsel vm5, s17, v6;
	s24 =	sshrl.u32 s3, $0x1F;
	s17 =	sadd.s32 s10, s12;
	v10 =	vsel vm1, s13, v10;
	(v2sf) =	vpush v4, $0x0;
	s13 =	smulhi.u32 $0x14F8B589, s5  }
.Ltmp0:
0xe7: {  	vm14 =	vmmov vm15;
	vm15 =	vmmov vm8;
	s22 =	sadd.s32 s25, s15;
	s25 =	sshrl.u32 s17, $0x1F;
	(v2sf) =	vpush v4, $0x1;
	(pc) =	sbr.rel @p0 .LBB2_2-.Ltmp0, $4  }
0xe8: {  	v9 =	vsel vm5, s16, v5;
	v11 =	vsel vm1, s26, v8;
	s26 =	sshrl.u32 s22, $0x1F;
	(v2sf) =	vpush v4, $0x2;
	s6 =	spop (v2sf);
	[dreg:$0x5] =	wrdreg s23  }
0xe9: {  	v8 =	vsel vm14, s14, v6;
	v5 =	vsel vm2, s25, v7;
	s7 =	sshra.s32 s22, $0xD;
	s30 =	smulhi.u32 $0x14F8B589, s6;
	(v2sf) =	vpush v4, $0x3;
	s23 =	spop (v2sf)  }
0xea: {  	s28 =	sshra.s32 s17, $0xD;
	v6 =	vsel vm2, s26, v11;
	v7 =	vsel vm2, s7, v10;
	s8 =	smulhi.u32 $0x14F8B589, s23;
	(v2sf) =	vpush v4, $0x4;
	s25 =	spop (v2sf)  }
0xeb: {  	s10 =	sadd.s32 $0x40, s20;
	v5 =	vcombine.low v6, v5;
	v6 =	vsel vm2, s28, v12;
	s19 =	smulhi.u32 $0x14F8B589, s25;
	(v2sf) =	vpush v4, $0xC;
	s26 =	spop (v2sf)  }
0xec: {  	s9 =	smulhi.u32 $0x14F8B589, s26;
	s7 =	spop (v2sf)  }
0xed: {  	s0 =	sshra.s32 s0, $0x1F;
	s28 =	smulhi.u32 $0x14F8B589, s7  }
0xee: {  	s17 =	sshra.s32 s2, $0x1F;
	s21 =	smul.u32 $0x14F8B589, s0  }
0xef: {  	s18 =	sshra.s32 s4, $0x1F;
	s15 =	smul.u32 $0x14F8B589, s17  }
0xf0: {  	s20 =	sshra.s32 s5, $0x1F;
	s0 =	smul.u32 $0x14F8B589, s18  }
0xf1: {  	s22 =	sshra.s32 s6, $0x1F;
	s16 =	smul.u32 $0x14F8B589, s20  }
0xf2: {  	s4 =	sshra.s32 s26, $0x1F;
	s18 =	smul.u32 $0x14F8B589, s22  }
0xf3: {  	s10 =	spop (v2sf);
	s2 =	smul.u32 $0x14F8B589, s4  }
0xf4: {  	s5 =	sshra.s32 s7, $0x1F;
	s12 =	smulhi.u32 $0x14F8B589, s10  }
0xf5: {  	s23 =	sshra.s32 s23, $0x1F;
	s22 =	smul.u32 $0x14F8B589, s5;
	s7 =	spop (v2sf)  }
0xf6: {  	s6 =	sshra.s32 s10, $0x1F;
	[smem:$0x7DB] =	sst s0;
	s0 =	smul.u32 $0x14F8B589, s23  }
0xf7: {  	[smem:$0x7D2] =	sst s2;
	s2 =	smul.u32 $0x14F8B589, s6  }
0xf8: {  	s25 =	sshra.s32 s25, $0x1F;
	s10 =	smulhi.u32 $0x14F8B589, s7  }
0xf9: {  	s14 =	sshra.s32 s7, $0x1F;
	[smem:$0x7D3] =	sst s12;
	s12 =	smul.u32 $0x14F8B589, s25  }
0xfa: {  	s17 =	spop (v2sf);
	s5 =	smul.u32 $0x14F8B589, s14  }
0xfb: {  	s7 =	smulhi.u32 $0x14F8B589, s17  }
0xfc: {  	s20 =	spop (v2sf);
	s4 =	sshra.s32 s17, $0x1F;
	[smem:$0x7D4] =	sst s2  }
0xfd: {  	[smem:$0x7D5] =	sst s10;
	s23 =	smulhi.u32 $0x14F8B589, s20;
	s6 =	sshra.s32 s20, $0x1F  }
0xfe: {  	s26 =	smul.u32 $0x14F8B589, s4;
	s4 =	spop (v2sf);
	s0 =	sadd.s32 s0, s8  }
0xff: {  	s22 =	sadd.s32 s22, s28;
	s25 =	smul.u32 $0x14F8B589, s6;
	[smem:$0x7E5] =	sst s0  }
0x100: {  	s6 =	smulhi.u32 $0x14F8B589, s4;
	s28 =	sadd.s32 s12, s19;
	s19 =	sld [smem:$0x7D3]  }
0x101: {  	s20 =	spop (v2sf);
	[smem:$0x7D7] =	sst s23  }
0x102: {  	s10 =	sshra.s32 s4, $0x1F;
	s14 =	smulhi.u32 $0x14F8B589, s20;
	[smem:$0x7D8] =	sst s25  }
0x103: {  	s20 =	sshra.s32 s20, $0x1F;
	s17 =	smul.u32 $0x14F8B589, s10;
	[smem:$0x7D9] =	sst s6  }
0x104: {  	s25 =	smul.u32 $0x14F8B589, s20;
	s20 =	spop (v2sf)  }
0x105: {  	[smem:$0x7D6] =	sst s14;
	s14 =	smulhi.u32 $0x14F8B589, s20;
	s10 =	sshra.s32 s20, $0x1F  }
0x106: {  	s23 =	spop (v2sf);
	s4 =	smul.u32 $0x14F8B589, s10  }
0x107: {  	[smem:$0x7DA] =	sst s17;
	s6 =	sshra.s32 s23, $0x1F;
	s23 =	smulhi.u32 $0x14F8B589, s23  }
0x108: {  	s10 =	spop (v2sf);
	s17 =	smul.u32 $0x14F8B589, s6  }
0x109: {  	s6 =	sshra.s32 s10, $0x1F;
	[smem:$0x7DD] =	sst s23;
	s23 =	spop (v2sf)  }
0x10a: {  	[smem:$0x7DC] =	sst s17;
	s17 =	smul.u32 $0x14F8B589, s6  }
0x10b: {  	s20 =	sshra.s32 s23, $0x1F;
	s6 =	sadd.s32 s21, s11;
	s21 =	spop (v2sf)  }
0x10c: {  	[smem:$0x7E9] =	sst s6;
	s11 =	smul.u32 $0x14F8B589, s20  }
0x10d: {  	s20 =	sadd.s32 s15, s29;
	s29 =	smulhi.u32 $0x14F8B589, s23;
	[smem:$0x7DE] =	sst s17  }
0x10e: {  	(v2sf) =	vpush v4, $0x8;
	s15 =	spop (v2sf);
	[smem:$0x7EA] =	sst s20  }
0x10f: {  	s23 =	sshra.s32 s15, $0x1F;
	s0 =	smulhi.u32 $0x14F8B589, s15;
	s15 =	sld [smem:$0x7D2]  }
0x110: {  	(v2sf) =	vpush v4, $0xD;
	s6 =	sshra.s32 s21, $0x1F;
	[smem:$0x7DF] =	sst s11  }
0x111: {  	(v2sf) =	vpush v4, $0x9;
	s21 =	smulhi.u32 $0x14F8B589, s21;
	s20 =	sadd.s32 s16, s13;
	[smem:$0x7E0] =	sst s29  }
0x112: {  	[smem:$0x7E6] =	sst s20  }
0x113: {  	[smem:$0x7E2] =	sst s21  }
0x114: {  	s21 =	sld [smem:$0x7D4]  }
0x115: {  	s17 =	smulhi.u32 $0x14F8B589, s10;
	s29 =	sadd.s32 s18, s30;
	s18 =	rddreg [dreg:$0x5]  }
0x116: {  	s11 =	smul.u32 $0x14F8B589, s6;
	[smem:$0x7E8] =	sst s29  }
0x117: {  	(v2sf) =	vpush v4, $0x5;
	s30 =	smul.u32 $0x14F8B589, s23;
	[smem:$0x7E4] =	sst s0  }
0x118: {  	s6 =	spop (v2sf);
	[smem:$0x7E1] =	sst s11  }
0x119: {  	s8 =	sshra.s32 s6, $0x1F;
	s10 =	spop (v2sf);
	[smem:$0x7E3] =	sst s30  }
0x11a: {  	s23 =	smulhi.u32 $0x14F8B589, s6;
	s6 =	sadd.s32 s4, s14;
	s30 =	sld [smem:$0x7D5]  }
0x11b: {  	s29 =	smul.u32 $0x14F8B589, s8;
	s13 =	sshra.s32 s10, $0x1F;
	[smem:$0x7E7] =	sst s6  }
0x11c: {  	s2 =	sadd.s32 s15, s9;
	s15 =	smulhi.u32 $0x14F8B589, s10;
	s10 =	sld [smem:$0x7D6]  }
0x11d: {  	s12 =	spop (v2sf);
	s6 =	sld [smem:$0x7D9]  }
0x11e: {  	[smem:$0x7EB] =	sst s2;
	s20 =	smul.u32 $0x14F8B589, s13  }
0x11f: {  	s16 =	sshra.s32 s12, $0x1F;
	s11 =	sadd.s32 s21, s19;
	s14 =	spop (v2sf)  }
0x120: {  	s13 =	smulhi.u32 $0x14F8B589, s12;
	s0 =	spop (v2sf);
	s8 =	sshra.s32 s14, $0x1F  }
0x121: {  	s14 =	smulhi.u32 $0x14F8B589, s14;
	s4 =	sadd.s32 s25, s10;
	s25 =	sld [smem:$0x7D7]  }
0x122: {  	(v2sf) =	vpush v4, $0xE;
	s23 =	sadd.s32 s29, s23;
	s19 =	sadd.s32 s5, s30;
	s30 =	sld [smem:$0x7D8]  }
0x123: {  	s12 =	smul.u32 $0x14F8B589, s8;
	s9 =	sshra.s32 s0, $0x1F;
	[smem:$0x7EF] =	sst s23  }
0x124: {  	s10 =	smul.u32 $0x14F8B589, s9;
	s9 =	sld [smem:$0x7DA]  }
0x125: {  	s8 =	sadd.s32 s30, s25;
	s25 =	sadd.s32 s26, s7;
	s26 =	sld [smem:$0x7DC]  }
0x126: {  	s2 =	spop (v2sf);
	s30 =	sld [smem:$0x7DD]  }
0x127: {  	s21 =	sshra.s32 s2, $0x1F;
	s14 =	sadd.s32 s12, s14;
	s12 =	sld [smem:$0x7E6]  }
0x128: {  	s5 =	sadd.s32 s9, s6;
	s9 =	smul.u32 $0x14F8B589, s21;
	s21 =	sld [smem:$0x7DB]  }
0x129: {  	s6 =	sadd.s32 s26, s30;
	s26 =	sld [smem:$0x7DF]  }
0x12a: {  	s16 =	smul.u32 $0x14F8B589, s16;
	s30 =	sld [smem:$0x7E0]  }
0x12b: {  	s7 =	smulhi.u32 $0x14F8B589, s0;
	s18 =	sadd.s32 s21, s18;
	s21 =	sld [smem:$0x7DE]  }
0x12c: {  	[smem:$0x7F0] =	sst s14  }
0x12d: {  	s13 =	sadd.s32 s16, s13;
	s16 =	sadd.s32 s10, s7;
	s7 =	sld [smem:$0x7E5]  }
0x12e: {  	s17 =	sadd.s32 s21, s17;
	s21 =	sadd.s32 s26, s30;
	s26 =	sld [smem:$0x7E1]  }
0x12f: {  	s30 =	sld [smem:$0x7E2]  }
0x130: {  	s3 =	sshra.s32 s3, $0xD;
	[smem:$0x7F1] =	sst s16  }
0x131: {  	s15 =	sadd.s32 s20, s15;
	s0 =	spop (v2sf);
	[smem:$0x7EC] =	sst s6  }
0x132: {  	s14 =	sshra.s32 s22, $0xD;
	s26 =	sadd.s32 s26, s30;
	s30 =	sld [smem:$0x7E3]  }
0x133: {  	s10 =	sshrl.u32 s22, $0x1F;
	s22 =	sshrl.u32 s11, $0x1F;
	[smem:$0x7ED] =	sst s26  }
0x134: {  	s11 =	sshra.s32 s11, $0xD;
	s6 =	smulhi.u32 $0x14F8B589, s2;
	s26 =	sld [smem:$0x7E4]  }
0x135: {  	v13 =	vmov s14;
	s16 =	sshra.s32 s4, $0xD;
	s2 =	sshra.s32 s0, $0x1F;
	s29 =	sshra.s32 s7, $0xD  }
0x136: {  	s2 =	smul.u32 $0x14F8B589, s2;
	s20 =	sadd.s32 s9, s6;
	v13 =	vsel vm0, s29, v13;
	s29 =	sld [smem:$0x7EB]  }
0x137: {  	s6 =	sshrl.u32 s28, $0x1F;
	[smem:$0x7F2] =	sst s20;
	s30 =	sadd.s32 s30, s26  }
0x138: {  	v12 =	vmov s22;
	s28 =	sshra.s32 s28, $0xD;
	[smem:$0x7EE] =	sst s30;
	s30 =	smulhi.u32 $0x14F8B589, s0  }
0x139: {  	s20 =	sshra.s32 s4, $0x1F;
	s4 =	sshrl.u32 s4, $0x1F;
	v12 =	vsel vm0, s6, v12;
	s6 =	sshra.s32 s19, $0x1F  }
0x13a: {  	(v2sf) =	vpush v4, $0xA;
	s22 =	sshra.s32 s29, $0xD;
	s23 =	sadd.s32 s2, s30;
	s30 =	sshrl.u32 s1, $0x1F  }
0x13b: {  	(v2sf) =	vpush v4, $0xF;
	s26 =	sshra.s32 s1, $0xD;
	s0 =	sshra.s32 s5, $0xD;
	v47 =	vsel vm6, s30, v9;
	s30 =	sld [smem:$0x7E7]  }
0x13c: {  	vm8 =	vcmask $0x704;
	(v2sf) =	vpush v4, $0xB;
	v14 =	vmov s4;
	s1 =	sshra.s32 s1, $0x1F;
	s2 =	sshra.s32 s5, $0x1F;
	s5 =	sshrl.u32 s5, $0x1F  }
0x13d: {  	v11 =	vmov s10;
	v14 =	vnsel vm3, $0x0, v14;
	v10 =	vsel vm6, s26, v8;
	[smem:$0x7F3] =	sst s23;
	s23 =	sshrl.u32 s7, $0x1F;
	s7 =	sshrl.u32 s12, $0x1F  }
0x13e: {  	s12 =	sshra.s32 s12, $0xD;
	v48 =	vsel vm15, s1, v10;
	v14 =	vsel vm0, s5, v14;
	v8 =	vsel vm7, s24, v47;
	s24 =	sld [smem:$0x7E8];
	s26 =	sshra.s32 s30, $0x1F  }
0x13f: {  	s5 =	sshrl.u32 s15, $0x1F;
	v9 =	vsel vm7, s3, v48;
	s3 =	sshra.s32 s8, $0x1F;
	v11 =	vsel vm0, s23, v11;
	s23 =	sshra.s32 s29, $0x1F;
	v49 =	vmov s26  }
0x140: {  	v13 =	vsel vm1, s12, v13;
	v11 =	vsel vm1, s7, v11;
	s7 =	sshra.s32 s18, $0x1F;
	s12 =	sshrl.u32 s30, $0x1F;
	s26 =	sld [smem:$0x7E9];
	v10 =	vsel vm3, s16, v49  }
0x141: {  	(v2sf) =	vpush v4, $0x6;
	v15 =	vmov s11;
	s1 =	sshrl.u32 s24, $0x1F;
	s9 =	sshra.s32 s24, $0xD;
	s24 =	sshra.s32 s8, $0xD;
	v10 =	vsel vm8, s20, v10  }
0x142: {  	v15 =	vsel vm0, s28, v15;
	s8 =	sshrl.u32 s8, $0x1F;
	s16 =	sshra.s32 s25, $0xD;
	v12 =	vsel vm1, s1, v12;
	s1 =	sshra.s32 s18, $0xD;
	v10 =	vsel vm0, s0, v10  }
0x143: {  	v15 =	vsel vm1, s9, v15;
	s9 =	sshrl.u32 s17, $0x1F;
	s20 =	sshra.s32 s25, $0x1F;
	s10 =	sshrl.u32 s26, $0x1F;
	v10 =	vsel vm11, s2, v10  }
0x144: {  	s14 =	sshra.s32 s26, $0xD;
	s0 =	sshrl.u32 s25, $0x1F;
	s26 =	sld [smem:$0x7EA];
	v10 =	vsel vm1, s24, v10  }
0x145: {  	s25 =	sshra.s32 s17, $0xD;
	s2 =	sshra.s32 s19, $0xD;
	s19 =	sshrl.u32 s19, $0x1F;
	v10 =	vsel vm9, s3, v10  }
0x146: {  	v6 =	vcombine.low v7, v6;
	v11 =	vsel vm2, s10, v11;
	s10 =	sshra.s32 s13, $0xD;
	s24 =	sshrl.u32 s29, $0x1F;
	s29 =	sshra.s32 s21, $0xD;
	v10 =	vsel vm2, s16, v10  }
0x147: {  	v5 =	vperm.xlane v5, v0;
	s4 =	sshrl.u32 s26, $0x1F;
	s11 =	sshra.s32 s26, $0xD;
	v10 =	vsel vm12, s20, v10;
	s20 =	sld [smem:$0x7EC]  }
0x148: {  	v6 =	vperm.xlane v6, v0;
	v18 =	vmov s5;
	s3 =	sshrl.u32 s18, $0x1F;
	s26 =	sshra.s32 s17, $0x1F;
	v10 =	vsel vm4, s2, v10;
	s2 =	sld [smem:$0x7ED]  }
0x149: {  	v8 =	vperm.xlane v8, v1;
	v9 =	vperm.xlane v9, v1;
	v14 =	vsel vm1, s8, v14;
	s17 =	sshrl.u32 s21, $0x1F;
	s16 =	sshra.s32 s30, $0xD;
	s30 =	sshra.s32 s21, $0x1F  }
0x14a: {  	v14 =	vsel vm2, s0, v14;
	v15 =	vsel vm2, s11, v15;
	s11 =	sshrl.u32 s13, $0x1F;
	v10 =	vsel vm13, s6, v10;
	s6 =	sshra.s32 s15, $0xD;
	s28 =	sshra.s32 s20, $0x1F  }
0x14b: {  	v14 =	vsel vm4, s19, v14;
	v10 =	vsel vm5, s22, v10;
	s22 =	sld [smem:$0x7F2];
	v16 =	vmov s28;
	s8 =	sshra.s32 s2, $0xD;
	s21 =	sshra.s32 s2, $0x1F  }
0x14c: {  	v5 =	vsel vm10, v8, v5;
	v14 =	vsel vm5, s24, v14;
	s18 =	sshrl.u32 s2, $0x1F;
	s28 =	sld [smem:$0x7EE];
	v16 =	vsel vm3, s25, v16;
	s25 =	spop (v2sf)  }
0x14d: {  	v12 =	vsel vm2, s4, v12;
	v14 =	vsel vm6, s3, v14;
	v16 =	vsel vm8, s26, v16;
	s0 =	spop (v2sf);
	s26 =	sshra.s32 s25, $0x1F;
	s25 =	smulhi.u32 $0x14F8B589, s25  }
0x14e: {  	v14 =	vsel vm7, s12, v14;
	v19 =	vmov s11;
	v10 =	vsel vm14, s23, v10;
	s11 =	sshra.s32 s22, $0x1F;
	s12 =	sshrl.u32 s22, $0x1F;
	s4 =	smul.u32 $0x14F8B589, s26  }
0x14f: {  	v17 =	vmov s9;
	v10 =	vsel vm6, s1, v10;
	v16 =	vsel vm0, s29, v16;
	s13 =	spop (v2sf);
	s29 =	sshra.s32 s28, $0xD;
	s24 =	sshra.s32 s0, $0x1F  }
0x150: {  	v6 =	vsel vm10, v9, v6;
	v17 =	vnsel vm3, $0x0, v17;
	v10 =	vsel vm15, s7, v10;
	s7 =	sshrl.u32 s28, $0x1F;
	s26 =	sld [smem:$0x7F0];
	s0 =	smulhi.u32 $0x14F8B589, s0  }
0x151: {  	v13 =	vsel vm2, s14, v13;
	v21 =	vmov s10;
	v16 =	vsel vm11, s30, v16;
	s2 =	spop (v2sf);
	s30 =	sshra.s32 s28, $0x1F;
	s3 =	smul.u32 $0x14F8B589, s24  }
0x152: {  	v17 =	vsel vm0, s17, v17;
	v11 =	vcombine.low v12, v11;
	v16 =	vsel vm1, s8, v16;
	s8 =	sshra.s32 s13, $0x1F;
	s4 =	sadd.s32 s4, s25;
	s25 =	sld [smem:$0x7F3]  }
0x153: {  	v51 =	vcombine.low v15, v13;
	v57 =	vperm.xlane v14, v1;
	s9 =	sshra.s32 s2, $0x1F;
	s2 =	smulhi.u32 $0x14F8B589, s2;
	v16 =	vsel vm9, s21, v16;
	s21 =	sld [smem:$0x7EF]  }
0x154: {  	v55 =	vperm.xlane v11, v0;
	v10 =	vsel vm7, s16, v10;
	s28 =	sshrl.u32 s26, $0x1F;
	s16 =	sshra.s32 s26, $0xD;
	v16 =	vsel vm2, s29, v16;
	s29 =	sld [smem:$0x7F1]  }
0x155: {  	v56 =	vperm.xlane v51, v0;
	v20 =	vmov s6;
	v17 =	vsel vm1, s18, v17;
	s8 =	smul.u32 $0x14F8B589, s8;
	s0 =	sadd.s32 s3, s0;
	s26 =	sshrl.u32 s25, $0x1F  }
0x156: {  	v17 =	vsel vm2, s7, v17;
	v18 =	vsel vm0, s28, v18;
	v16 =	vsel vm12, s30, v16;
	s23 =	sshra.s32 s21, $0xD;
	s15 =	sshra.s32 s21, $0x1F;
	s24 =	sshrl.u32 s21, $0x1F  }
0x157: {  	v20 =	vsel vm0, s16, v20;
	v18 =	vsel vm1, s26, v18;
	s30 =	sshrl.u32 s29, $0x1F;
	v16 =	vsel vm4, s23, v16;
	s17 =	sshra.s32 s29, $0xD;
	s29 =	smulhi.u32 $0x14F8B589, s13  }
0x158: {  	s28 =	sshrl.u32 s4, $0x1F;
	v17 =	vsel vm4, s24, v17;
	s13 =	sshrl.u32 s0, $0x1F;
	v16 =	vsel vm13, s15, v16;
	v19 =	vsel vm0, s30, v19;
	s30 =	smul.u32 $0x14F8B589, s9  }
0x159: {  	s4 =	sshra.s32 s4, $0xD;
	s23 =	sshra.s32 s22, $0xD;
	v21 =	vsel vm0, s17, v21;
	s9 =	sshra.s32 s25, $0xD;
	v17 =	vsel vm5, s12, v17;
	v18 =	vsel vm2, s13, v18  }
0x15a: {  	s0 =	sshra.s32 s0, $0xD;
	v16 =	vsel vm5, s23, v16;
	v19 =	vsel vm1, s28, v19;
	s10 =	sadd.s32 s8, s29;
	v20 =	vsel vm1, s9, v20;
	s1 =	sadd.s32 s30, s2  }
0x15b: {  	v21 =	vsel vm1, s4, v21;
	v16 =	vsel vm14, s11, v16;
	s14 =	sshrl.u32 s10, $0x1F;
	s15 =	sshra.s32 s10, $0xD;
	v20 =	vsel vm2, s0, v20;
	s16 =	sshra.s32 s1, $0xD  }
0x15c: {  	v19 =	vsel vm2, s14, v19;
	v50 =	vsel vm2, s15, v21;
	s17 =	sshrl.u32 s1, $0x1F;
	v52 =	vsel vm6, s16, v16  }
0x15d: {  	s18 =	sshrl.u32 s20, $0x1F;
	s19 =	sshra.s32 s1, $0x1F;
	v53 =	vcombine.low v19, v18;
	v7 =	vcombine.low v50, v20;
	v54 =	vsel vm6, s17, v17  }
0x15e: {  	v10 =	vperm.xlane v10, v1;
	s21 =	sshra.s32 s20, $0xD;
	v16 =	vsel vm7, s18, v54;
	v13 =	vsel vm15, s19, v52  }
0x15f: {  	v58 =	vperm.xlane v53, v0;
	v7 =	vperm.xlane v7, v0;
	v13 =	vsel vm7, s21, v13  }
0x160: {  	v5 =	vadd.s32 v5, v6;
	v59 =	vperm.xlane v16, v1;
	v13 =	vperm.xlane v13, v1  }
0x161: {  	v5 =	vmul.u32 $0x186A0, v5;
	v8 =	vsel vm10, v57, v55;
	v60 =	vsel vm10, v10, v56  }
0x162: {  	v8 =	vadd.s32 v8, v60;
	v6 =	vsel vm10, v59, v58;
	v7 =	vsel vm10, v13, v7  }
0x163: {  	v2 =	vsub.s32 v2, v5;
	v61 =	vmul.u32 $0x186A0, v8;
	v6 =	vadd.s32 v6, v7  }
0x164: {  	v62 =	vadd.s32 $0x186A0, v2;
	vm9 =	vlt.s32 v2, $0x0;
	v6 =	vmul.u32 $0x186A0, v6  }
0x165: {  	v2 =	vsel vm9, v62, v2;
	v3 =	vsub.s32 v3, v61  }
0x166: {  	s22 =	rddreg [dreg:$0x6];
	vm9 =	vlt.s32 v3, $0x0;
	v5 =	vadd.s32 $0x186A0, v3;
	v63 =	vsub.s32 v4, v6  }
0x167: {  	[tilespmem:s22+$0x200] =	vst v2;
	v2 =	vsel vm9, v5, v3;
	vm9 =	vlt.s32 v63, $0x0;
	v3 =	vadd.s32 $0x186A0, v63  }
0x168: {  	s24 =	simm.s32 $0x100;
	[tilespmem:s31+$0x300] =	vst v2;
	v3 =	vsel vm9, v3, v63  }
0x169: {  	s25 =	simm.s32 $0x400;
	s4 =	simm.s32 $0x200;
	s23 =	rddreg [dreg:$0x1b];
	[tilespmem:s31+$0x200] =	vst v3  }
0x16a: {  	[tilespmem:s25], [sflag:$0x1] =	stream.indirect.gather [hbm4b:s23+s24], $0x80, s4, s24, $0xb8;
	[tilespmem:$0x10400] =	vst v63  }
0x16b: {  	s5 =	simm.s32 $0x300;
	s26 =	simm.s32 $0x8400;
	s28 =	simm.s32 $0x1  }
0x16c: {  	[tilespmem:s26], [sflag:$0x1] =	stream.indirect.gather [hbm4b:s23+s24], $0x80, s5, s24, $0xb8;
	[tilespmem:$0x10400] =	vst v63  }
0x16d: {  	_ =	swait.ge [sflag:s28], $0x8000  }
0x16e: {  	[sflag:s28] =	ssyncset.done $0x0  }
0x16f: {  	[sflag:s28] =	ssyncadd.s32 $0xFFFF8000  }
0x170: {  	_ =	swait.ge [sflag:s28], $0x8000  }
0x171: {  	s6 =	simm.s32 $0x0;
	[sflag:s28] =	ssyncset.done $0x0  }
0x172: {  	s30 =	simm.s32 $0x2;
	s29 =	rddreg [dreg:$0x1d];
	[sflag:s28] =	ssyncadd.s32 $0xFFFF8000  }
0x173: {  	[hbm4b:s29+s6] =	stream.linear.scatter [tilespmem:s25], [sflag:$0x2], $0x8000, $0x38;
	[tilespmem:$0x10400] =	vst v63  }
0x174: {  	_ =	swait.ge [sflag:s30], $0x8000  }
0x175: {  	[sflag:s30] =	ssyncset.done $0x0  }
0x176: {  	s31 =	rddreg [dreg:$0x1e];
	[sflag:s30] =	ssyncadd.s32 $0xFFFF8000  }
0x177: {  	[hbm4b:s31+s6] =	stream.linear.scatter [tilespmem:s26], [sflag:$0x2], $0x8000, $0x38;
	[tilespmem:$0x10400] =	vst v63  }
0x178: {  	_ =	swait.ge [sflag:s30], $0x8000  }
0x179: {  	[sflag:s30] =	ssyncset.done $0x0  }
0x17a: {  	[sflag:s30] =	ssyncadd.s32 $0xFFFF8000  }
.LBB2_4:
0x17b: {  	s0 =	sand.u32 $0xF0, s6  }
0x17c: {  	v3 =	vld [tilespmem:s0+$0x100];
	_ =	sdelay $0x4  }
0x17d: {  	v2 =	vmul.u32 $0x1F, v3;
	_ =	sdelay $0x1  }
0x17e: {  	v2 =	vadd.s32 $0x7, v2  }
0x17f: {  	(v2sf) =	vpush v2, $0xD;
	_ =	sdelay $0x1  }
0x180: {  	(v2sf) =	vpush v2, $0xC;
	_ =	sdelay $0x1  }
0x181: {  	(v2sf) =	vpush v2, $0xE;
	_ =	sdelay $0x1  }
0x182: {  	(v2sf) =	vpush v2, $0xF;
	_ =	sdelay $0x1  }
0x183: {  	(v2sf) =	vpush v2, $0x9;
	_ =	sdelay $0x1  }
0x184: {  	(v2sf) =	vpush v2, $0x8;
	_ =	sdelay $0x1  }
0x185: {  	(v2sf) =	vpush v2, $0xA;
	_ =	sdelay $0x1  }
0x186: {  	(v2sf) =	vpush v2, $0xB  }
0x187: {  	s8 =	spop (v2sf)  }
0x188: {  	(v2sf) =	vpush v2, $0x0;
	s2 =	smulhi.u32 $0x14F8B589, s8;
	s0 =	sshra.s32 s8, $0x1F  }
0x189: {  	s9 =	spop (v2sf);
	s16 =	smul.u32 $0x14F8B589, s0  }
0x18a: {  	(v2sf) =	vpush v2, $0x1;
	s3 =	smulhi.u32 $0x14F8B589, s9;
	s0 =	sshra.s32 s9, $0x1F  }
0x18b: {  	s10 =	spop (v2sf);
	(v2sf) =	vpush v2, $0x2;
	s21 =	smul.u32 $0x14F8B589, s0  }
0x18c: {  	[smem:$0x7D1] =	sst s4;
	s4 =	smulhi.u32 $0x14F8B589, s10;
	s0 =	sshra.s32 s10, $0x1F  }
0x18d: {  	s11 =	spop (v2sf);
	(v2sf) =	vpush v2, $0x3;
	s23 =	smul.u32 $0x14F8B589, s0  }
0x18e: {  	[smem:$0x7D0] =	sst s5;
	s5 =	smulhi.u32 $0x14F8B589, s11;
	s0 =	sshra.s32 s11, $0x1F  }
0x18f: {  	s12 =	spop (v2sf);
	s7 =	smul.u32 $0x14F8B589, s0  }
0x190: {  	[smem:$0x7CF] =	sst s6;
	(v2sf) =	vpush v2, $0x4;
	s6 =	smulhi.u32 $0x14F8B589, s12;
	s0 =	sshra.s32 s12, $0x1F  }
0x191: {  	s13 =	spop (v2sf);
	s28 =	smul.u32 $0x14F8B589, s0  }
0x192: {  	(v2sf) =	vpush v2, $0x5;
	s8 =	smulhi.u32 $0x14F8B589, s13;
	s0 =	sshra.s32 s13, $0x1F  }
0x193: {  	s14 =	spop (v2sf);
	s26 =	smul.u32 $0x14F8B589, s0  }
0x194: {  	(v2sf) =	vpush v2, $0x6;
	s9 =	smulhi.u32 $0x14F8B589, s14;
	s0 =	sshra.s32 s14, $0x1F  }
0x195: {  	s15 =	spop (v2sf);
	s29 =	smul.u32 $0x14F8B589, s0  }
0x196: {  	v3 =	vmul.u32 $0x3F1, v3;
	(v2sf) =	vpush v2, $0x7;
	s10 =	smulhi.u32 $0x14F8B589, s15;
	s0 =	sshra.s32 s15, $0x1F  }
0x197: {  	s30 =	smul.u32 $0x14F8B589, s0;
	s17 =	spop (v2sf)  }
0x198: {  	v3 =	vadd.s32 $0x1B1, v3;
	s1 =	smulhi.u32 $0x14F8B589, s17;
	s0 =	sshra.s32 s17, $0x1F  }
0x199: {  	(v2sf) =	vpush v3, $0xD;
	s18 =	spop (v2sf);
	s24 =	smul.u32 $0x14F8B589, s0  }
0x19a: {  	s19 =	smulhi.u32 $0x14F8B589, s18;
	s0 =	sshra.s32 s18, $0x1F;
	s20 =	spop (v2sf)  }
0x19b: {  	(v2sf) =	vpush v3, $0xC;
	[smem:$0x7B9] =	sst s1;
	s22 =	smul.u32 $0x14F8B589, s0  }
0x19c: {  	(v2sf) =	vpush v3, $0xE;
	s25 =	smulhi.u32 $0x14F8B589, s20;
	s0 =	sshra.s32 s20, $0x1F;
	s31 =	spop (v2sf)  }
0x19d: {  	[smem:$0x7BA] =	sst s19;
	s17 =	smul.u32 $0x14F8B589, s0  }
0x19e: {  	s11 =	smulhi.u32 $0x14F8B589, s31;
	s1 =	sshra.s32 s31, $0x1F;
	[smem:$0x7BB] =	sst s25  }
0x19f: {  	s15 =	smul.u32 $0x14F8B589, s1;
	s25 =	spop (v2sf)  }
0x1a0: {  	(v2sf) =	vpush v3, $0xF;
	[smem:$0x7BC] =	sst s11;
	s12 =	smulhi.u32 $0x14F8B589, s25;
	s25 =	sshra.s32 s25, $0x1F  }
0x1a1: {  	s28 =	sadd.s32 s28, s6;
	(v2sf) =	vpush v3, $0x9;
	s13 =	spop (v2sf);
	s14 =	smul.u32 $0x14F8B589, s25  }
0x1a2: {  	s6 =	sld [smem:$0x7BB];
	s18 =	smulhi.u32 $0x14F8B589, s13;
	s25 =	sshra.s32 s13, $0x1F  }
0x1a3: {  	(v2sf) =	vpush v3, $0x8;
	s19 =	spop (v2sf);
	s13 =	smul.u32 $0x14F8B589, s25  }
0x1a4: {  	[smem:$0x7BD] =	sst s12;
	s20 =	smulhi.u32 $0x14F8B589, s19;
	s25 =	sshra.s32 s19, $0x1F  }
0x1a5: {  	s16 =	sadd.s32 s16, s2;
	(v2sf) =	vpush v3, $0xA;
	s1 =	spop (v2sf);
	s31 =	smul.u32 $0x14F8B589, s25  }
0x1a6: {  	[smem:$0x7BE] =	sst s18;
	s11 =	smulhi.u32 $0x14F8B589, s1;
	s25 =	sshra.s32 s1, $0x1F  }
0x1a7: {  	s21 =	sadd.s32 s21, s3;
	(v2sf) =	vpush v3, $0xB;
	[smem:$0x7BF] =	sst s20;
	s12 =	smul.u32 $0x14F8B589, s25  }
0x1a8: {  	s23 =	sadd.s32 s23, s4;
	[smem:$0x7C0] =	sst s31;
	s18 =	spop (v2sf)  }
0x1a9: {  	[smem:$0x7C1] =	sst s11;
	s19 =	smulhi.u32 $0x14F8B589, s18;
	s25 =	sshra.s32 s18, $0x1F  }
0x1aa: {  	s26 =	sadd.s32 s26, s8;
	s20 =	spop (v2sf);
	s1 =	smul.u32 $0x14F8B589, s25  }
0x1ab: {  	s29 =	sadd.s32 s29, s9;
	s31 =	smulhi.u32 $0x14F8B589, s20;
	s2 =	spop (v2sf)  }
0x1ac: {  	s25 =	sshra.s32 s20, $0x1F;
	[smem:$0x7C3] =	sst s19;
	s3 =	smulhi.u32 $0x14F8B589, s2  }
0x1ad: {  	s4 =	sshra.s32 s2, $0x1F;
	[smem:$0x7C4] =	sst s31;
	s31 =	smul.u32 $0x14F8B589, s25  }
0x1ae: {  	s30 =	sadd.s32 s30, s10;
	s19 =	smul.u32 $0x14F8B589, s4;
	s4 =	sld [smem:$0x7BA]  }
0x1af: {  	s25 =	sadd.s32 s7, s5;
	s7 =	spop (v2sf);
	[smem:$0x7C5] =	sst s3  }
0x1b0: {  	s20 =	smulhi.u32 $0x14F8B589, s7;
	s0 =	sshra.s32 s7, $0x1F;
	s8 =	spop (v2sf)  }
0x1b1: {  	s3 =	sld [smem:$0x7B9];
	s18 =	smul.u32 $0x14F8B589, s0;
	s0 =	sshra.s32 s8, $0x1F  }
0x1b2: {  	s17 =	sadd.s32 s17, s6;
	s9 =	spop (v2sf);
	s11 =	smul.u32 $0x14F8B589, s0  }
0x1b3: {  	s7 =	sld [smem:$0x7BC];
	s10 =	smulhi.u32 $0x14F8B589, s9;
	s0 =	sshra.s32 s9, $0x1F  }
0x1b4: {  	s22 =	sadd.s32 s22, s4;
	s5 =	spop (v2sf);
	s4 =	sld [smem:$0x7BD]  }
0x1b5: {  	s24 =	sadd.s32 s24, s3;
	s9 =	smul.u32 $0x14F8B589, s0;
	s0 =	sshra.s32 s5, $0x1F  }
0x1b6: {  	(v2sf) =	vpush v3, $0x0;
	s15 =	sadd.s32 s15, s7;
	s3 =	spop (v2sf);
	s7 =	smul.u32 $0x14F8B589, s0  }
0x1b7: {  	s6 =	smulhi.u32 $0x14F8B589, s3;
	s0 =	sshra.s32 s3, $0x1F;
	s3 =	sld [smem:$0x7BF]  }
0x1b8: {  	s14 =	sadd.s32 s14, s4;
	s4 =	sld [smem:$0x7C0]  }
0x1b9: {  	(v2sf) =	vpush v3, $0x1  }
0x1ba: {  	[smem:$0x7C2] =	sst s12  }
0x1bb: {  	s2 =	sadd.s32 s4, s3;
	s3 =	sld [smem:$0x7C2]  }
0x1bc: {  	[smem:$0x7C7] =	sst s2  }
0x1bd: {  	(v2sf) =	vpush v3, $0x2;
	s2 =	sld [smem:$0x7C1]  }
0x1be: {  	s12 =	smulhi.u32 $0x14F8B589, s8  }
0x1bf: {  	s8 =	smulhi.u32 $0x14F8B589, s5;
	s5 =	sld [smem:$0x7BE];
	s18 =	sadd.s32 s18, s20  }
0x1c0: {  	[smem:$0x7CC] =	sst s18;
	s2 =	sadd.s32 s3, s2  }
0x1c1: {  	[smem:$0x7C6] =	sst s2  }
0x1c2: {  	s2 =	sld [smem:$0x7C3]  }
0x1c3: {  	s11 =	sadd.s32 s11, s12;
	s18 =	sshrl.u32 s21, $0x1F;
	s12 =	sshrl.u32 s28, $0x1F  }
0x1c4: {  	[smem:$0x7CB] =	sst s11;
	s11 =	sadd.s32 s9, s10;
	s13 =	sadd.s32 s13, s5  }
0x1c5: {  	s5 =	smul.u32 $0x14F8B589, s0;
	s0 =	spop (v2sf);
	(v2sf) =	vpush v3, $0x3;
	s1 =	sadd.s32 s1, s2  }
0x1c6: {  	s10 =	sshra.s32 s23, $0xD;
	v5 =	vmov s18;
	s18 =	sshrl.u32 s17, $0x1F;
	[smem:$0x7C9] =	sst s1  }
0x1c7: {  	s4 =	smulhi.u32 $0x14F8B589, s0;
	s0 =	sshra.s32 s0, $0x1F;
	s1 =	sld [smem:$0x7C4]  }
0x1c8: {  	s5 =	sadd.s32 s5, s6;
	s3 =	smul.u32 $0x14F8B589, s0;
	s0 =	spop (v2sf);
	(v2sf) =	vpush v3, $0x4  }
0x1c9: {  	s6 =	sshrl.u32 s16, $0x1F;
	[smem:$0x7CE] =	sst s5;
	s5 =	sshra.s32 s21, $0xD  }
0x1ca: {  	v5 =	vsel vm0, s6, v5;
	s6 =	sshra.s32 s17, $0xD;
	s1 =	sadd.s32 s31, s1;
	s31 =	sld [smem:$0x7C5]  }
0x1cb: {  	s2 =	smulhi.u32 $0x14F8B589, s0;
	s0 =	sshra.s32 s0, $0x1F;
	[smem:$0x7C8] =	sst s1  }
0x1cc: {  	s17 =	sshra.s32 s17, $0x1F;
	s1 =	smul.u32 $0x14F8B589, s0;
	s0 =	spop (v2sf)  }
0x1cd: {  	s19 =	sadd.s32 s19, s31;
	s31 =	sadd.s32 s7, s8;
	s8 =	sadd.s32 s3, s4  }
0x1ce: {  	s3 =	sadd.s32 s1, s2;
	s7 =	sshrl.u32 s25, $0x1F;
	s25 =	sshra.s32 s25, $0xD  }
0x1cf: {  	(v2sf) =	vpush v3, $0x5;
	s2 =	sshrl.u32 s22, $0x1F;
	s4 =	sshra.s32 s24, $0xD;
	s1 =	sshra.s32 s22, $0xD  }
0x1d0: {  	(v2sf) =	vpush v3, $0x6;
	[smem:$0x7CA] =	sst s19;
	s19 =	smulhi.u32 $0x14F8B589, s0;
	s0 =	sshra.s32 s0, $0x1F  }
0x1d1: {  	(v2sf) =	vpush v3, $0x7;
	s22 =	sshra.s32 s22, $0x1F;
	s20 =	smul.u32 $0x14F8B589, s0;
	s0 =	sshrl.u32 s24, $0x1F  }
0x1d2: {  	[smem:$0x7CD] =	sst s31;
	s31 =	sshrl.u32 s23, $0x1F;
	s23 =	sshra.s32 s26, $0xD;
	v4 =	vmov s0  }
0x1d3: {  	s24 =	sshra.s32 s24, $0x1F;
	v5 =	vsel vm1, s31, v5;
	s31 =	sshrl.u32 s14, $0x1F;
	v9 =	vmov s23;
	s23 =	sshra.s32 s13, $0xD;
	v4 =	vnsel vm3, $0x0, v4  }
0x1d4: {  	s0 =	sshrl.u32 s29, $0x1F;
	v5 =	vsel vm2, s7, v5;
	s7 =	spop (v2sf);
	s9 =	sadd.s32 s20, s19;
	v4 =	vsel vm0, s2, v4  }
0x1d5: {  	v8 =	vmov s5;
	s19 =	sshra.s32 s16, $0xD;
	s16 =	sshrl.u32 s26, $0x1F;
	s26 =	sshrl.u32 s15, $0x1F;
	v4 =	vsel vm1, s18, v4  }
0x1d6: {  	s20 =	sshra.s32 s28, $0xD;
	s28 =	sshra.s32 s29, $0xD;
	v8 =	vsel vm0, s19, v8;
	v4 =	vsel vm2, s26, v4;
	s26 =	sld [smem:$0x7C6]  }
0x1d7: {  	s29 =	sshrl.u32 s30, $0x1F;
	s30 =	sshra.s32 s30, $0xD;
	s21 =	spop (v2sf);
	v8 =	vsel vm1, s10, v8  }
0x1d8: {  	v6 =	vmov s16;
	s2 =	sshrl.u32 s13, $0x1F;
	s10 =	sshrl.u32 s11, $0x1F;
	v8 =	vsel vm2, s25, v8;
	s25 =	sld [smem:$0x7C8]  }
0x1d9: {  	v6 =	vsel vm0, s12, v6;
	s12 =	smulhi.u32 $0x14F8B589, s7;
	v11 =	vmov s10;
	s10 =	sld [smem:$0x7C9];
	s18 =	sshra.s32 s26, $0x1F  }
0x1da: {  	s7 =	sshra.s32 s7, $0x1F;
	s11 =	sshra.s32 s11, $0xD;
	v7 =	vmov s18;
	s18 =	sld [smem:$0x7C7]  }
0x1db: {  	s5 =	smul.u32 $0x14F8B589, s7;
	s7 =	sshra.s32 s14, $0xD;
	v13 =	vmov s11;
	s11 =	sshrl.u32 s3, $0x1F;
	v4 =	vsel vm4, s31, v4  }
0x1dc: {  	v9 =	vsel vm0, s20, v9;
	v6 =	vsel vm1, s0, v6;
	v4 =	vsel vm5, s2, v4;
	s2 =	sshra.s32 s15, $0xD;
	s0 =	sshrl.u32 s25, $0x1F;
	s20 =	sshrl.u32 s10, $0x1F  }
0x1dd: {  	vm8 =	vcmask $0x704;
	s10 =	sshra.s32 s10, $0xD;
	v10 =	vmov s0;
	s0 =	sadd.s32 s5, s12;
	v7 =	vsel vm3, s4, v7;
	s31 =	sshrl.u32 s18, $0x1F  }
0x1de: {  	s4 =	sshra.s32 s15, $0x1F;
	s15 =	sshrl.u32 s26, $0x1F;
	s16 =	spop (v2sf);
	v7 =	vsel vm8, s24, v7;
	v4 =	vsel vm6, s31, v4  }
0x1df: {  	v9 =	vsel vm1, s28, v9;
	s12 =	sshra.s32 s3, $0xD;
	s3 =	sshra.s32 s3, $0x1F;
	v7 =	vsel vm0, s1, v7;
	v4 =	vsel vm7, s15, v4;
	s15 =	spop (v2sf)  }
0x1e0: {  	v6 =	vsel vm2, s29, v6;
	v10 =	vsel vm0, s20, v10;
	s20 =	smulhi.u32 $0x14F8B589, s21;
	s21 =	sshra.s32 s21, $0x1F;
	v7 =	vsel vm11, s22, v7;
	s29 =	spop (v2sf)  }
0x1e1: {  	vm9 =	vcmask $0x1714;
	v9 =	vsel vm2, s30, v9;
	s24 =	sld [smem:$0x7CA];
	v7 =	vsel vm1, s6, v7;
	s19 =	smulhi.u32 $0x14F8B589, s29;
	s31 =	sshra.s32 s29, $0x1F  }
0x1e2: {  	v55 =	vcombine.low v9, v8;
	s1 =	sshra.s32 s13, $0x1F;
	v7 =	vsel vm9, s17, v7;
	s17 =	sld [smem:$0x7CC];
	s6 =	smul.u32 $0x14F8B589, s31  }
0x1e3: {  	v5 =	vcombine.low v6, v5;
	s22 =	sshra.s32 s14, $0x1F;
	s14 =	sshra.s32 s18, $0xD;
	v7 =	vsel vm2, s2, v7;
	s29 =	sld [smem:$0x7CB]  }
0x1e4: {  	v6 =	vperm.xlane v55, v0;
	s28 =	sshrl.u32 s24, $0x1F;
	v7 =	vsel vm12, s4, v7;
	s31 =	sld [smem:$0x7CD];
	s13 =	sadd.s32 s6, s19  }
0x1e5: {  	v5 =	vperm.xlane v5, v0;
	v10 =	vsel vm1, s28, v10;
	s30 =	sshrl.u32 s17, $0x1F;
	v7 =	vsel vm4, s7, v7;
	s7 =	sshra.s32 s25, $0xD;
	s19 =	sshra.s32 s13, $0x1F  }
0x1e6: {  	v4 =	vperm.xlane v4, v1;
	s2 =	sshrl.u32 s29, $0x1F;
	v10 =	vsel vm2, s30, v10;
	s28 =	sshra.s32 s29, $0xD;
	s29 =	sshra.s32 s8, $0xD;
	v14 =	vmov s19  }
0x1e7: {  	s18 =	sshra.s32 s18, $0x1F;
	v12 =	vmov s7;
	s7 =	sshra.s32 s8, $0x1F;
	v11 =	vsel vm0, s2, v11;
	s2 =	sshrl.u32 s31, $0x1F;
	v14 =	vsel vm3, s29, v14  }
0x1e8: {  	s25 =	sshra.s32 s24, $0xD;
	s24 =	sshra.s32 s9, $0xD;
	v7 =	vsel vm13, s22, v7;
	v11 =	vsel vm1, s2, v11;
	s2 =	sld [smem:$0x7CE];
	v14 =	vsel vm8, s7, v14  }
0x1e9: {  	s30 =	sshra.s32 s17, $0xD;
	s17 =	sshrl.u32 s9, $0x1F;
	v12 =	vsel vm0, s10, v12;
	v13 =	vsel vm0, s28, v13;
	s31 =	sshra.s32 s31, $0xD;
	v56 =	vsel vm0, s12, v14  }
0x1ea: {  	s10 =	sshrl.u32 s8, $0x1F;
	s8 =	smul.u32 $0x14F8B589, s21;
	s28 =	sshra.s32 s9, $0x1F;
	v7 =	vsel vm5, s23, v7;
	v12 =	vsel vm1, s25, v12;
	v8 =	vsel vm11, s3, v56  }
0x1eb: {  	v13 =	vsel vm1, s31, v13;
	s25 =	sshrl.u32 s0, $0x1F;
	v59 =	vmov s10;
	s31 =	sshra.s32 s0, $0xD;
	s6 =	sshrl.u32 s2, $0x1F;
	v8 =	vsel vm1, s24, v8  }
0x1ec: {  	s0 =	sshra.s32 s0, $0x1F;
	v12 =	vsel vm2, s30, v12;
	s29 =	smulhi.u32 $0x14F8B589, s16;
	s30 =	sshra.s32 s16, $0x1F;
	v11 =	vsel vm2, s6, v11;
	v8 =	vsel vm9, s28, v8  }
0x1ed: {  	s7 =	sadd.s32 s8, s20;
	s10 =	smul.u32 $0x14F8B589, s30;
	s19 =	sshra.s32 s2, $0xD;
	v57 =	vcombine.low v11, v10;
	v11 =	vnsel vm3, $0x0, v59;
	v8 =	vsel vm2, s31, v8  }
0x1ee: {  	v7 =	vsel vm14, s1, v7;
	s12 =	sshra.s32 s15, $0x1F;
	v11 =	vsel vm0, s11, v11;
	s11 =	smulhi.u32 $0x14F8B589, s15;
	s15 =	sshra.s32 s7, $0xD;
	v8 =	vsel vm12, s0, v8  }
0x1ef: {  	v7 =	vsel vm6, s14, v7;
	s4 =	sadd.s32 s10, s29;
	s5 =	smul.u32 $0x14F8B589, s12;
	v11 =	vsel vm1, s17, v11;
	s17 =	sshra.s32 s7, $0x1F;
	v8 =	vsel vm4, s15, v8  }
0x1f0: {  	v7 =	vsel vm15, s18, v7;
	v58 =	vsel vm2, s19, v13;
	s20 =	sshra.s32 s4, $0xD;
	v8 =	vsel vm13, s17, v8  }
0x1f1: {  	s19 =	sshrl.u32 s7, $0x1F;
	v10 =	vcombine.low v58, v12;
	s23 =	sshra.s32 s4, $0x1F;
	v11 =	vsel vm2, s25, v11;
	s2 =	sadd.s32 s5, s11;
	v8 =	vsel vm5, s20, v8  }
0x1f2: {  	s21 =	sshrl.u32 s4, $0x1F;
	v9 =	vperm.xlane v57, v0;
	v11 =	vsel vm4, s19, v11;
	s28 =	sshra.s32 s2, $0xD;
	v8 =	vsel vm14, s23, v8  }
0x1f3: {  	v10 =	vperm.xlane v10, v0;
	s25 =	sshra.s32 s26, $0xD;
	s26 =	sshrl.u32 s2, $0x1F;
	s30 =	sshra.s32 s2, $0x1F;
	v11 =	vsel vm5, s21, v11;
	v8 =	vsel vm6, s28, v8  }
0x1f4: {  	s29 =	sshrl.u32 s13, $0x1F;
	s31 =	sshra.s32 s13, $0xD;
	v7 =	vsel vm7, s25, v7;
	v11 =	vsel vm6, s26, v11;
	v8 =	vsel vm15, s30, v8  }
0x1f5: {  	v7 =	vperm.xlane v7, v1;
	v11 =	vsel vm7, s29, v11;
	v8 =	vsel vm7, s31, v8  }
0x1f6: {  	v11 =	vperm.xlane v11, v1;
	v8 =	vperm.xlane v8, v1  }
0x1f7: {  	v4 =	vsel vm10, v4, v5;
	s16 =	sld [smem:$0x7CF];
	v60 =	vsel vm10, v7, v6  }
0x1f8: {  	v4 =	vadd.s32 v4, v60;
	v61 =	vsel vm10, v11, v9;
	v62 =	vsel vm10, v8, v10  }
0x1f9: {  	v4 =	vmul.u32 $0x186A0, v4;
	v5 =	vadd.s32 v61, v62  }
0x1fa: {  	p0 =	sne.s32 s16, $0xF0;
	v5 =	vmul.u32 $0x186A0, v5  }
.Ltmp1:
0x1fb: {  	s24 =	sld [smem:$0x7D1];
	v2 =	vsub.s32 v2, v4;
	(pc) =	sbr.rel @p0 .LBB2_4-.Ltmp1, $4  }
0x1fc: {  	s22 =	sld [smem:$0x7D0];
	vm9 =	vlt.s32 v2, $0x0;
	v4 =	vadd.s32 $0x186A0, v2;
	v3 =	vsub.s32 v3, v5  }
0x1fd: {  	v2 =	vsel vm9, v4, v2;
	vm9 =	vlt.s32 v3, $0x0;
	v63 =	vadd.s32 $0x186A0, v3  }
0x1fe: {  	[tilespmem:s24+$0x0] =	vst v2;
	v3 =	vsel vm9, v63, v3  }
0x1ff: {  	s6 =	sadd.s32 $0x10, s16;
	s4 =	sadd.s32 $0x10, s24;
	s5 =	sadd.s32 $0x10, s22;
	[tilespmem:s22+$0x0] =	vst v3  }
0x200: {  	s0 =	rddreg [dreg:$0x1b]  }
0x201: {  	s1 =	simm.s32 $0x100;
	s2 =	simm.s32 $0x400;
	s3 =	simm.s32 $0x200  }
0x202: {  	[tilespmem:s2], [sflag:$0x1] =	stream.indirect.gather [hbm4b:s0+s1], $0x80, s3, s1, $0xb8;
	[tilespmem:$0x10400] =	vst v63  }
0x203: {  	s25 =	simm.s32 $0x8400;
	s4 =	simm.s32 $0x300;
	s26 =	simm.s32 $0x1  }
0x204: {  	[tilespmem:s25], [sflag:$0x1] =	stream.indirect.gather [hbm4b:s0+s1], $0x80, s4, s1, $0xb8;
	[tilespmem:$0x10400] =	vst v63  }
0x205: {  	_ =	swait.ge [sflag:s26], $0x8000  }
0x206: {  	[sflag:s26] =	ssyncset.done $0x0  }
0x207: {  	[sflag:s26] =	ssyncadd.s32 $0xFFFF8000  }
0x208: {  	_ =	swait.ge [sflag:s26], $0x8000  }
0x209: {  	s7 =	simm.s32 $0x0;
	[sflag:s26] =	ssyncset.done $0x0  }
0x20a: {  	s1 =	simm.s32 $0x2;
	s28 =	rddreg [dreg:$0x1f];
	[sflag:s26] =	ssyncadd.s32 $0xFFFF8000  }
0x20b: {  	[hbm4b:s28+s7] =	stream.linear.scatter [tilespmem:s2], [sflag:$0x2], $0x8000, $0x38;
	[tilespmem:$0x10400] =	vst v63  }
0x20c: {  	_ =	swait.ge [sflag:s1], $0x8000  }
0x20d: {  	s29 =	sld [smem:$0x7FC]  }
0x20e: {  	[sflag:s1] =	ssyncset.done $0x0  }
0x20f: {  	[sflag:s1] =	ssyncadd.s32 $0xFFFF8000  }
0x210: {  	[hbm4b:s29+s7] =	stream.linear.scatter [tilespmem:s25], [sflag:$0x2], $0x8000, $0x38;
	[tilespmem:$0x10400] =	vst v63  }
0x211: {  	_ =	swait.ge [sflag:s1], $0x8000  }
0x212: {  	s30 =	sld [smem:$0x7F4]  }
0x213: {  	s31 =	sld [smem:$0x7FD];
	_ =	sdelay $0x1  }
0x214: {  	s2 =	sadd.s32 $0x1, s30  }
0x215: {  	p0 =	sne.s32 s2, s31  }
.Ltmp2:
0x216: {  	_ = 	snop;
	(pc) =	sbr.rel @p0 .LBB2_1-.Ltmp2, $3  }
0x217: {  	_ =	sdelay $0x1  }
0x218: {  	[sflag:s1] =	ssyncset.done $0x0  }
0x219: {  	vm8 =	vcmask $0x704;
	vm9 =	vcmask $0x1714;
	[sflag:s1] =	ssyncadd.s32 $0xFFFF8000  }
0x21a: {  	_ =	sfence.sel $0x180000  }
0x21b: {  	[bflag:$0x0] =	sbarrier.arrive $0xFFFF  }
0x21c: {  	_ =	strace $0x90000047  }
0x21d: {  	s0 =	stileid.u32;
	[bflag:$0x2] =	sbarrier.arrive $0xFFFF  }
0x21e: {  	p0 =	sne.s32 s0, $0x0;
	s0 =	rddreg [dreg:$0x3]  }
0x21f: {  	s0 =	sadd.s32 @!p0 $0x100000, s0  }
0x220: {  	[sflag:s0] =	ssyncadd.tile.s32 @!p0 $0x1;
	_ =	shalt  }
.Lfunc_end2:
_tile_overlayer_lowered:
.L_overlay_start_2:
0x221: {  	(tag) =	ssettag $0x2  }
0x222: {  	s0 =	rddreg [dreg:$0x0];
	s2 =	stileid.u32  }
0x223: {  	s1 =	rddreg [dreg:$0x1];
	p0 =	sne.s32 s2, $0x0  }
0x224: {  	s3 =	rddreg [dreg:$0x2];
	[bflag:$0x3] =	sbarrier.arrive $0xFFFF;
	s2 =	simm.s32 @!p0 $0x1C02  }
0x225: {  	[timem:s3], [sflag:s2] =	dma.local @!p0 [hbm:s0], s1  }
0x226: {  	s0 =	simm.s32 @!p0 $0x2  }
0x227: {  	_ =	swait.ge @!p0 [sflag:s0], s1  }
0x228: {  	s1 =	ssub.s32 @!p0 $0x0, s1;
	[sflag:s0] =	ssyncset.done @!p0 $0x0  }
0x229: {  	[sflag:s0] =	ssyncadd.s32 @!p0 s1  }
0x22a: {  	[bflag:$0x3] =	sbarrier.arrive $0xFFFF  }
0x22b: {  	_ =	shalt  }

// kernel: kernel.9.cloned.1.call-start
scs
__scs_entry_jumppad:
0x0: {  	(pc) =	sbr.rel $0x88, $3  }
0x1: {  	(tag) =	ssettag $0x0;
	lr =	simm.s32 $0x1  }
0x2: {  	[smem:$0x3F9C] =	sst lr;
	_ =	strace $0xD0000000  }
0x3: {  	_ = 	snop  }
0x4: {  	_ = 	snop  }
0x5: {  	_ = 	snop  }
0x6: {  	_ = 	snop  }
0x7: {  	_ = 	snop  }
__scs_overlays_trampoline_lowered:
0x8: {  	[smem:$0x3FAB] =	sst s0  }
0x9: {  	[smem:$0x3FAC] =	sst s1  }
0xa: {  	[smem:$0x3FAD] =	sst s2  }
0xb: {  	[smem:$0x3FAE] =	sst s3  }
0xc: {  	[smem:$0x3FAF] =	sst s4  }
0xd: {  	[smem:$0x3FB0] =	sst s5  }
0xe: {  	[smem:$0x3FB1] =	sst s6  }
0xf: {  	[smem:$0x3FB2] =	sst s7  }
0x10: {  	[smem:$0x3FB3] =	sst s8  }
0x11: {  	[smem:$0x3FB4] =	sst s9;
	s0 =	simm.s32 @!p0 $0x0  }
0x12: {  	s1 =	sld [smem:$0x3F9A];
	s0 =	simm.s32 @p0 $0x1  }
0x13: {  	[smem:$0x3FB5] =	sst s0;
	s0 =	simm.s32 @!p1 $0x0  }
0x14: {  	s2 =	sld [smem:$0x3F99];
	s0 =	simm.s32 @p1 $0x1  }
0x15: {  	[smem:$0x3FB6] =	sst s0;
	s0 =	simm.s32 @!p2 $0x0  }
0x16: {  	s3 =	sld [smem:$0x3FDB];
	s0 =	simm.s32 @p2 $0x1  }
0x17: {  	s4 =	simm.s32 $0x1BF5;
	[smem:$0x3FB8] =	sst s0  }
0x18: {  	s0 =	sld [smem:$0x3F9B];
	_ =	swait.ge [sflag:s4], $0x0  }
0x19: {  	s7 =	sld [smem:$0x3F9C]  }
0x1a: {  	s8 =	sadd.s32 $0xFFFFE003, lr  }
0x1b: {  	s9 =	sadd.s32 $0xFFFFFEF7, lr;
	s5 =	simm.s32 $0xFFFFFFFF;
	p2 =	slt.u32 s8, $0xFFFFF086  }
0x1c: {  	p1 =	slt.u32 s9, $0xF7A;
	s5 =	simm.s32 @!p2 $0x0  }
0x1d: {  	s5 =	simm.s32 @p1 $0x1;
	p0 =	seq.s32 s7, s2  }
0x1e: {  	s7 =	smul.u32 @!p0 $0xF7A, s2;
	p2 =	seq.s32 @!p0 s5, $0x0  }
0x1f: {  	s9 =	smul.u32 $0xF7A, s1;
	s8 =	simm.s32 @!p0 $0x1BF5;
	p2 =	por !p2, p0  }
0x20: {  	[sflag:s8] =	ssyncset.s32 @!p0 $0xFFFFF086;
	s6 =	sadd.s32 @!p0 s3, s7;
	s7 =	simm.s32 @!p0 $0x108  }
0x21: {  	s3 =	sadd.s32 s3, s9;
	s6 =	sadd.s32 @!p0 $0x88, s6;
	s7 =	simm.s32 @p2 $0x1082  }
0x22: {  	[simem:s7], [sflag:s8] =	dma.local @!p0 [hbm:s6], $0xF7A  }
0x23: {  	s9 =	sor.u32 $0xD0000000, s2;
	s6 =	simm.s32 $0x108;
	_ =	swait.ge @!p0 [sflag:s8], $0x0  }
0x24: {  	s3 =	sadd.s32 $0x88, s3;
	s6 =	simm.s32 @!p1 $0x1082;
	[sflag:s4] =	ssyncset.s32 $0xFFFFF086  }
0x25: {  	[simem:s6], [sflag:s4] =	dma.local [hbm:s3], $0xF7A  }
0x26: {  	[smem:$0x3F9C] =	sst s1;
	(tag) =	ssettag s2;
	_ =	strace s9  }
0x27: {  	s1 =	sld [smem:$0x3FAC]  }
0x28: {  	s2 =	sld [smem:$0x3FAD]  }
0x29: {  	s4 =	sld [smem:$0x3FAF]  }
0x2a: {  	p0 =	seq.s32 s5, $0x0;
	s5 =	sld [smem:$0x3FB0]  }
0x2b: {  	s6 =	sld [smem:$0x3FB1]  }
0x2c: {  	s7 =	sld [smem:$0x3FB2]  }
0x2d: {  	s3 =	simm.s32 $0x108;
	s8 =	sld [smem:$0x3FB3]  }
0x2e: {  	s3 =	simm.s32 @!p0 $0x1082;
	s9 =	sld [smem:$0x3FB4]  }
0x2f: {  	lr =	sadd.s32 s0, s3;
	s0 =	sld [smem:$0x3FAB]  }
0x30: {  	s3 =	sld [smem:$0x3FAE]  }
0x31: {  	[smem:$0x3FB7] =	sst s10  }
0x32: {  	s10 =	sld [smem:$0x3FB5];
	_ =	sdelay $0x3  }
0x33: {  	p0 =	seq.s32 s10, $0x1;
	s10 =	sld [smem:$0x3FB7];
	_ =	sdelay $0x3  }
0x34: {  	[smem:$0x3FB7] =	sst s10  }
0x35: {  	s10 =	sld [smem:$0x3FB6];
	_ =	sdelay $0x3  }
0x36: {  	p1 =	seq.s32 s10, $0x1;
	s10 =	sld [smem:$0x3FB7];
	_ =	sdelay $0x3  }
0x37: {  	[smem:$0x3FB7] =	sst s10  }
0x38: {  	s10 =	sld [smem:$0x3FB8]  }
0x39: {  	_ = 	snop;
	(pc) =	sbr.ind lr, $3  }
0x3a: {  	_ = 	snop  }
0x3b: {  	_ = 	snop  }
0x3c: {  	p2 =	seq.s32 s10, $0x1;
	s10 =	sld [smem:$0x3FB7]  }
0x3d: {  	_ =	shalt  }
0x3e: {  	_ =	shalt  }
0x3f: {  	_ =	shalt  }
0x40: {  	_ =	shalt  }
0x41: {  	_ =	shalt  }
0x42: {  	_ =	shalt  }
0x43: {  	_ =	shalt  }
0x44: {  	_ =	shalt  }
0x45: {  	_ =	shalt  }
0x46: {  	_ =	shalt  }
0x47: {  	_ =	shalt  }
0x48: {  	_ =	shalt  }
0x49: {  	_ =	shalt  }
0x4a: {  	_ =	shalt  }
0x4b: {  	_ =	shalt  }
0x4c: {  	_ =	shalt  }
0x4d: {  	_ =	shalt  }
0x4e: {  	_ =	shalt  }
0x4f: {  	_ =	shalt  }
0x50: {  	_ =	shalt  }
0x51: {  	_ =	shalt  }
0x52: {  	_ =	shalt  }
0x53: {  	_ =	shalt  }
0x54: {  	_ =	shalt  }
0x55: {  	_ =	shalt  }
0x56: {  	_ =	shalt  }
0x57: {  	_ =	shalt  }
0x58: {  	_ =	shalt  }
0x59: {  	_ =	shalt  }
0x5a: {  	_ =	shalt  }
0x5b: {  	_ =	shalt  }
0x5c: {  	_ =	shalt  }
0x5d: {  	_ =	shalt  }
0x5e: {  	_ =	shalt  }
0x5f: {  	_ =	shalt  }
0x60: {  	_ =	shalt  }
0x61: {  	_ =	shalt  }
0x62: {  	_ =	shalt  }
0x63: {  	_ =	shalt  }
0x64: {  	_ =	shalt  }
0x65: {  	_ =	shalt  }
0x66: {  	_ =	shalt  }
0x67: {  	_ =	shalt  }
0x68: {  	_ =	shalt  }
0x69: {  	_ =	shalt  }
0x6a: {  	_ =	shalt  }
0x6b: {  	_ =	shalt  }
0x6c: {  	_ =	shalt  }
0x6d: {  	_ =	shalt  }
0x6e: {  	_ =	shalt  }
0x6f: {  	_ =	shalt  }
0x70: {  	_ =	shalt  }
0x71: {  	_ =	shalt  }
0x72: {  	_ =	shalt  }
0x73: {  	_ =	shalt  }
0x74: {  	_ =	shalt  }
0x75: {  	_ =	shalt  }
0x76: {  	_ =	shalt  }
0x77: {  	_ =	shalt  }
0x78: {  	_ =	shalt  }
0x79: {  	_ =	shalt  }
0x7a: {  	_ =	shalt  }
0x7b: {  	_ =	shalt  }
0x7c: {  	_ =	shalt  }
0x7d: {  	_ =	shalt  }
0x7e: {  	_ =	shalt  }
0x7f: {  	_ =	shalt  }
0x80: {  	_ =	shalt  }
0x81: {  	_ =	shalt  }
0x82: {  	_ =	shalt  }
0x83: {  	_ =	shalt  }
0x84: {  	_ =	shalt  }
0x85: {  	_ =	shalt  }
0x86: {  	_ =	shalt  }
0x87: {  	_ =	shalt  }
.Lfunc_end0:
.L_simem_size_0:
called_computation.1_lowered:
.L_overlay_start_0:
0x88: {  	s2 =	sld [smem:$0x3FD9]  }
0x89: {  	s3 =	sld [smem:$0x3FFE];
	_ =	sdelay $0x1  }
0x8a: {  	s1 =	srdreg.scid  }
0x8b: {  	s0 =	sand.u32 $0x1, s1  }
0x8c: {  	s17 =	sshll.u32 s0, $0xA;
	s2 =	sadd.s32 s3, s2  }
0x8d: {  	s2 =	sadd.s32 s2, s17  }
0x8e: {  	[smem:$0x3FC3] =	sst s2  }
0x8f: {  	_ = 	snop  }
0x90: {  	s2 =	sld [smem:$0x3FC9];
	(tm) =	ssettm $0x1  }
0x91: {  	s18 =	sld [smem:$0x3FFB];
	_ =	sdelay $0x3  }
0x92: {  	_ =	strace s18  }
0x93: {  	s3 =	sld [smem:$0x3FFC];
	_ =	sdelay $0x3  }
0x94: {  	_ =	strace s3  }
0x95: {  	s3 =	sld [smem:$0x3FFD];
	_ =	sdelay $0x3  }
0x96: {  	_ =	strace s3  }
0x97: {  	_ =	strace $0x8FFFFFFF  }
0x98: {  	s19 =	sld [smem:$0x3FDB];
	_ =	sdelay $0x1  }
0x99: {  	s4 =	simm.s32 $_scs_section_size  }
0x9a: {  	s5 =	simm.s32 $_size__tile_overlayer_lowered;
	s6 =	simm.s32 $_tile_overlayer_lowered  }
0x9b: {  	s22 =	simm.s32 $0x1BFF;
	s21 =	sshll.u32 s6, $0x1;
	s3 =	sadd.s32 s4, s19  }
0x9c: {  	s7 =	simm.s32 $0x0;
	s20 =	sshll.u32 s5, $0x1;
	s5 =	sadd.s32 s21, s3  }
0x9d: {  	[timem:s7], [sflag:s22] =	dma.local [hbm:s5], s20  }
0x9e: {  	_ =	swait.ge [sflag:s22], s20  }
0x9f: {  	s4 =	ssub.s32 $0x0, s20;
	[sflag:s22] =	ssyncset.done $0x0  }
0xa0: {  	[sflag:s22] =	ssyncadd.s32 s4;
	_ =	sdelay $0x1  }
0xa1: {  	s23 =	simm.s32 $0x1B8B  }
0xa2: {  	_ =	swait.ge [sflag:s23], $0x1  }
0xa3: {  	[sflag:s23] =	ssyncset.done $0x0  }
0xa4: {  	s25 =	simm.s32 $0x1B8E;
	s24 =	sld [smem:$0x3FFE];
	[sflag:s23] =	ssyncadd.s32 $0xFFFFFFFF  }
0xa5: {  	s26 =	simm.s32 $execute0_lowered;
	[smem:$0x3FD2] =	sst s25  }
0xa6: {  	s5 =	sshll.u32 s26, $0x1;
	_ =	strace $0x80000049;
	[dreg:$0x1] =	wrdreg $0xFFFFFFFF  }
0xa7: {  	s28 =	simm.s32 $_size_execute0_lowered;
	s3 =	sadd.s32 s3, s5;
	[dreg:$0x0] =	wrdreg $0x0  }
0xa8: {  	s5 =	sshll.u32 s28, $0x1;
	[dreg:$0x2] =	wrdreg s3  }
0xa9: {  	[dreg:$0x3] =	wrdreg s5  }
0xaa: {  	[dreg:$0x4] =	wrdreg $0xC0  }
0xab: {  	_ =	task [dreg:s7], $0x5FFFF  }
0xac: {  	[dreg:$0x1] =	wrdreg $0xFFFFFFFF  }
0xad: {  	[dreg:$0x0] =	wrdreg $0x60  }
0xae: {  	[dreg:$0x2] =	wrdreg s2  }
0xaf: {  	[dreg:$0x3] =	wrdreg s24  }
0xb0: {  	[dreg:$0x4] =	wrdreg $0x9  }
0xb1: {  	_ =	task.clear_ibuf [dreg:s7], $0x5FFFF;
	_ =	strace $0x90000049  }
0xb2: {  	s29 =	simm.s32 $0x9;
	_ =	strace $0x8000004B  }
0xb3: {  	_ =	swait.ge [sflag:s29], $0x1  }
0xb4: {  	[sflag:s29] =	ssyncadd.s32 $0xFFFFFFFF  }
0xb5: {  	_ =	strace $0x9000004B  }
0xb6: {  	_ =	sfence  }
0xb7: {  	s30 =	sld [smem:$0x0];
	_ =	sdelay $0x2  }
0xb8: {  	s31 =	sshll.u32 s1, $0xD;
	s1 =	sshrl.u32 s1, $0x2  }
0xb9: {  	s3 =	sand.u32 $0x4000, s31;
	s1 =	sadd.s32 s1, s30  }
0xba: {  	s0 =	sor.u32 s3, s0;
	s1 =	sshll.u32 s1, $0x11  }
0xbb: {  	s0 =	sor.u32 s1, s0  }
0xbc: {  	s0 =	sadd.s32 $0x8F2B, s0  }
0xbd: {  	[sflag:s0] =	ssyncadd.remote.s32 $0x1  }
0xbe: {  	_ =	sfence.sel $0xFFFF  }
0xbf: {  	[dreg:$0x0] =	wrdreg $0xFFFFFFFF;
	(pc) =	sbr.abs _section_cstart, $3  }
0xc0: {  	[dreg:$0x1] =	wrdreg $0xFFFFFFFF  }
0xc1: {  	_ =	task.clear_ibuf [dreg:s7], $0x2FFFF;
	_ =	strace $0x9FFFFFFF  }
0xc2: {  	(tm) =	ssettm $0x7FFFFFFF  }
0xc3: {  	_ =	shalt  }
tec
execute0_lowered:
.L_overlay_start_1:
0x0: {  	(tag) =	ssettag $0x1  }
0x1: {  	s3 =	rddreg [dreg:$0x0]  }
0x2: {  	s10 =	rddreg [dreg:$0x1];
	s2 =	srdreg.scid  }
0x3: {  	s0 =	rddreg [dreg:$0x2];
	s1 =	stileid.u32;
	s11 =	sand.u32 $0x1, s2  }
0x4: {  	s2 =	simm.s32 $0x0;
	s4 =	sshll.u32 s1, $0x7;
	s5 =	sshll.u32 s11, $0x6  }
0x5: {  	[smem:$0x7FF] =	sst s2;
	s12 =	sor.u32 s5, s4  }
0x6: {  	_ =	strace $0x8000004A;
	s4 =	sadd.s32 s3, s12;
	s3 =	simm.s32 $0x2  }
0x7: {  	[tilespmem:s2], [sflag:$0x2] =	stream.linear.gather [hbm4b:s4+s2], $0x200, $0x38;
	[tilespmem:$0x600] =	vst v63  }
0x8: {  	_ =	swait.ge [sflag:s3], $0x200  }
0x9: {  	[sflag:s3] =	ssyncset.done $0x0  }
0xa: {  	s6 =	simm.s32 $0x200;
	s5 =	sadd.s32 $0x1E7000, s10;
	[sflag:s3] =	ssyncadd.s32 $0xFFFFFE00  }
0xb: {  	[tilespmem:s6], [sflag:$0x1] =	stream.indirect.gather [hbm4b:s5+s6], $0x1, s2, s6, $0xb8;
	[tilespmem:$0x600] =	vst v63  }
0xc: {  	s8 =	simm.s32 $0x400;
	s9 =	simm.s32 $0x1;
	s7 =	sadd.s32 $0x1C8600, s10  }
0xd: {  	[tilespmem:s8], [sflag:$0x1] =	stream.indirect.gather [hbm4b:s7+s6], $0x1, s2, s6, $0xb8;
	[tilespmem:$0x600] =	vst v63  }
0xe: {  	_ =	swait.ge [sflag:s9], $0x200  }
0xf: {  	[sflag:s9] =	ssyncset.done $0x0  }
0x10: {  	s11 =	ssub.s32 $0x2, s11;
	[sflag:s9] =	ssyncadd.s32 $0xFFFFFE00  }
0x11: {  	s13 =	sshrl.u32 s11, $0x1;
	_ =	swait.ge [sflag:s9], $0x200  }
0x12: {  	s12 =	sadd.s32 s12, s10;
	s13 =	ssub.s32 s11, s13;
	[sflag:s9] =	ssyncset.done $0x0  }
0x13: {  	s10 =	sadd.s32 $0x1C00, s12;
	s31 =	smax.u32 s13, $0x1;
	[sflag:s9] =	ssyncadd.s32 $0xFFFFFE00  }
0x14: {  	[hbm4b:s10+s2] =	stream.linear.scatter [tilespmem:s6], [sflag:$0x2], $0x200, $0x38;
	[tilespmem:$0x600] =	vst v63  }
0x15: {  	p0 =	sne.s32 s31, $0x1;
	_ =	swait.ge [sflag:s3], $0x200  }
.Ltmp0:
0x16: {  	[sflag:s3] =	ssyncset.done $0x0;
	(pc) =	sbr.rel @!p0 .LBB2_2-.Ltmp0, $4  }
0x17: {  	s11 =	sadd.s32 $0x2400, s12;
	[sflag:s3] =	ssyncadd.s32 $0xFFFFFE00  }
0x18: {  	[hbm4b:s11+s2] =	stream.linear.scatter [tilespmem:s8], [sflag:$0x2], $0x200, $0x38;
	[tilespmem:$0x600] =	vst v63  }
0x19: {  	_ =	swait.ge [sflag:s3], $0x200  }
0x1a: {  	s12 =	sadd.s32 $0xFFFFFFFF, s31;
	[sflag:s3] =	ssyncset.done $0x0  }
.LBB2_1:
0x1b: {  	p0 =	sne.s32 s12, $0x1;
	s12 =	sadd.s32 $0xFFFFFFFF, s12;
	[sflag:s3] =	ssyncadd.s32 $0xFFFFFE00  }
0x1c: {  	[tilespmem:s2], [sflag:$0x2] =	stream.linear.gather [hbm4b:s4+s2], $0x200, $0x38;
	[tilespmem:$0x600] =	vst v63  }
0x1d: {  	_ =	swait.ge [sflag:s3], $0x200  }
0x1e: {  	[sflag:s3] =	ssyncset.done $0x0  }
0x1f: {  	[sflag:s3] =	ssyncadd.s32 $0xFFFFFE00  }
0x20: {  	[tilespmem:s6], [sflag:$0x1] =	stream.indirect.gather [hbm4b:s5+s6], $0x1, s2, s6, $0xb8;
	[tilespmem:$0x600] =	vst v63  }
0x21: {  	_ = 	snop  }
0x22: {  	[tilespmem:s8], [sflag:$0x1] =	stream.indirect.gather [hbm4b:s7+s6], $0x1, s2, s6, $0xb8;
	[tilespmem:$0x600] =	vst v63  }
0x23: {  	_ =	swait.ge [sflag:s9], $0x200  }
0x24: {  	[sflag:s9] =	ssyncset.done $0x0  }
0x25: {  	[sflag:s9] =	ssyncadd.s32 $0xFFFFFE00  }
0x26: {  	_ =	swait.ge [sflag:s9], $0x200  }
0x27: {  	[sflag:s9] =	ssyncset.done $0x0  }
0x28: {  	[sflag:s9] =	ssyncadd.s32 $0xFFFFFE00  }
0x29: {  	[hbm4b:s10+s2] =	stream.linear.scatter [tilespmem:s6], [sflag:$0x2], $0x200, $0x38;
	[tilespmem:$0x600] =	vst v63  }
0x2a: {  	_ =	swait.ge [sflag:s3], $0x200  }
.Ltmp1:
0x2b: {  	[sflag:s3] =	ssyncset.done $0x0;
	(pc) =	sbr.rel @p0 .LBB2_1-.Ltmp1, $4  }
0x2c: {  	[sflag:s3] =	ssyncadd.s32 $0xFFFFFE00  }
0x2d: {  	[hbm4b:s11+s2] =	stream.linear.scatter [tilespmem:s8], [sflag:$0x2], $0x200, $0x38;
	[tilespmem:$0x600] =	vst v63  }
0x2e: {  	_ =	swait.ge [sflag:s3], $0x200  }
0x2f: {  	[sflag:s3] =	ssyncset.done $0x0  }
.LBB2_2:
0x30: {  	[sflag:s3] =	ssyncadd.s32 $0xFFFFFE00  }
0x31: {  	_ =	sfence.sel $0x180000  }
0x32: {  	[bflag:$0x0] =	sbarrier.arrive $0xFFFF  }
0x33: {  	p0 =	sne.s32 s1, $0x0;
	_ =	strace $0x9000004A  }
0x34: {  	s0 =	sadd.s32 @!p0 $0x100000, s0;
	[bflag:$0x2] =	sbarrier.arrive $0xFFFF  }
0x35: {  	[sflag:s0] =	ssyncadd.tile.s32 @!p0 $0x1;
	_ =	shalt  }
.Lfunc_end2:
_tile_overlayer_lowered:
.L_overlay_start_2:
0x36: {  	(tag) =	ssettag $0x2  }
0x37: {  	s0 =	rddreg [dreg:$0x0];
	s2 =	stileid.u32  }
0x38: {  	s1 =	rddreg [dreg:$0x1];
	p0 =	sne.s32 s2, $0x0  }
0x39: {  	s3 =	rddreg [dreg:$0x2];
	[bflag:$0x3] =	sbarrier.arrive $0xFFFF;
	s2 =	simm.s32 @!p0 $0x1C02  }
0x3a: {  	[timem:s3], [sflag:s2] =	dma.local @!p0 [hbm:s0], s1  }
0x3b: {  	s0 =	simm.s32 @!p0 $0x2  }
0x3c: {  	_ =	swait.ge @!p0 [sflag:s0], s1  }
0x3d: {  	s1 =	ssub.s32 @!p0 $0x0, s1;
	[sflag:s0] =	ssyncset.done @!p0 $0x0  }
0x3e: {  	[sflag:s0] =	ssyncadd.s32 @!p0 s1  }
0x3f: {  	[bflag:$0x3] =	sbarrier.arrive $0xFFFF  }
0x40: {  	_ =	shalt  }

</sc_bundles>
